<compile_context>
chip_gen: v7x
topology: tpu7x:2x2x1
jax: 0.10.2.dev20260603
libtpu: 0.0.44.dev20260713+nightly
codegen_flags: <defaults>
</compile_context>

<pallas_src>
import functools

import jax
import jax.numpy as jnp
from jax import lax
from jax.experimental import pallas as pl
from jax.experimental.pallas import tpu as pltpu
from jax.experimental.pallas import tpu_sc as plsc

HIDDEN = 2048
NUM_EXPERTS = 16
TOP_K = 2
BETA = 0.1
GAMMA = 0.1
EXPLORATION_C = 0.1
LOAD_EMA_ALPHA = 0.9

TB = 1024
T_TOTAL = 8192
NW = 32
TPW = T_TOTAL // NW
NG = TPW // 16
E = NUM_EXPERTS
L = 16


def _logits_block(x_ref, w_ref, bias_ref, out_ref):
    out_ref[...] = jax.lax.dot_general(
        x_ref[...], w_ref[...],
        dimension_numbers=(((1,), (1,)), ((), ())),
        preferred_element_type=jnp.float32) + bias_ref[...]


def _tc_logits(x2, W, bias):
    T = x2.shape[0]
    return pl.pallas_call(
        _logits_block,
        grid=(T // TB,),
        in_specs=[
            pl.BlockSpec((TB, HIDDEN), lambda i: (i, 0)),
            pl.BlockSpec((E, HIDDEN), lambda i: (0, 0)),
            pl.BlockSpec((1, E), lambda i: (0, 0)),
        ],
        out_specs=pl.BlockSpec((TB, E), lambda i: (i, 0)),
        out_shape=jax.ShapeDtypeStruct((T, E), jnp.float32),
    )(x2, W, bias)


_sc_mesh = plsc.VectorSubcoreMesh(core_axis_name="c", subcore_axis_name="s")


@functools.partial(
    pl.kernel,
    mesh=_sc_mesh,
    compiler_params=pltpu.CompilerParams(needs_layout_passes=False),
    out_type=[
        jax.ShapeDtypeStruct((T_TOTAL, TOP_K), jnp.float32),
        jax.ShapeDtypeStruct((T_TOTAL, TOP_K), jnp.int32),
        jax.ShapeDtypeStruct((NW * 2 * L,), jnp.float32),
    ],
    scratch_types=[
        pltpu.VMEM((TPW, E), jnp.float32),
        pltpu.VMEM((TPW, TOP_K), jnp.float32),
        pltpu.VMEM((TPW, TOP_K), jnp.int32),
        pltpu.VMEM((E,), jnp.float32),
        pltpu.VMEM((E * L,), jnp.float32),
        pltpu.VMEM((2 * L,), jnp.float32),
    ],
)
def _sc_route(lg_hbm, wout_hbm, iout_hbm, part_hbm,
              lg_v, w_v, i_v, cnt_v, pm_v, part_v):
    wid = lax.axis_index("s") * 2 + lax.axis_index("c")
    base = wid * TPW
    pltpu.sync_copy(lg_hbm.at[pl.ds(base, TPW)], lg_v)

    lane = lax.broadcasted_iota(jnp.int32, (L,), 0)
    ones = jnp.ones((L,), jnp.float32)
    zeros = jnp.zeros((L,), jnp.float32)
    cnt_v[...] = jnp.zeros((E,), jnp.float32)
    for e in range(E):
        pm_v[pl.ds(e * L, L)] = zeros

    zeros_i = jnp.zeros((L,), jnp.int32)
    ones_i = jnp.full((L,), 1, jnp.int32)
    e_vecs = [jnp.full((L,), e, jnp.int32) for e in range(E)]

    @pl.loop(0, NG)
    def _group(g):
        tok = lane + g * L
        ls = [plsc.load_gather(lg_v, [tok, e_vecs[e]]) for e in range(E)]
        m1 = ls[0]
        i1 = jnp.zeros((L,), jnp.int32)
        m2 = jnp.full((L,), -jnp.inf, jnp.float32)
        i2 = jnp.zeros((L,), jnp.int32)
        for e in range(1, E):
            l = ls[e]
            e_v = e_vecs[e]
            gt1 = l > m1
            gt2 = l > m2
            m2n = jnp.where(gt2, l, m2)
            i2n = jnp.where(gt2, e_v, i2)
            m2 = jnp.where(gt1, m1, m2n)
            i2 = jnp.where(gt1, i1, i2n)
            m1 = jnp.where(gt1, l, m1)
            i1 = jnp.where(gt1, e_v, i1)
        exps = [jnp.exp(l - m1) for l in ls]
        denom = exps[0]
        for e in range(1, E):
            denom = denom + exps[e]
        rden = 1.0 / denom
        for e in range(E):
            plsc.addupdate(pm_v.at[pl.ds(e * L, L)], exps[e] * rden)
        e2 = jnp.exp(m2 - m1)
        w1 = 1.0 / (1.0 + e2)
        w2 = 1.0 - w1
        plsc.store_scatter(w_v, [tok, zeros_i], w1)
        plsc.store_scatter(w_v, [tok, ones_i], w2)
        plsc.store_scatter(i_v, [tok, zeros_i], i1)
        plsc.store_scatter(i_v, [tok, ones_i], i2)
        plsc.addupdate_scatter(cnt_v, [i1], ones)
        plsc.addupdate_scatter(cnt_v, [i2], ones)

    lane_l = lane * L
    psum = jnp.zeros((L,), jnp.float32)
    for t in range(L):
        psum = psum + plsc.load_gather(pm_v, [lane_l + t])

    part_v[pl.ds(0, L)] = cnt_v[...]
    part_v[pl.ds(L, L)] = psum
    pltpu.sync_copy(w_v, wout_hbm.at[pl.ds(base, TPW)])
    pltpu.sync_copy(i_v, iout_hbm.at[pl.ds(base, TPW)])
    pltpu.sync_copy(part_v, part_hbm.at[pl.ds(wid * 2 * L, 2 * L)])


def kernel(x, W, reputation_scores, expert_loads, expert_counts,
           total_routing_decisions):
    B, S, H = x.shape
    x2 = x.reshape(-1, H)
    updated_loads = (LOAD_EMA_ALPHA * expert_loads
                     + (1.0 - LOAD_EMA_ALPHA) * expert_loads)
    exploration = EXPLORATION_C * jnp.sqrt(
        jnp.log(total_routing_decisions + 1.0) / (expert_counts + 1e-10))
    bias = (BETA * reputation_scores - GAMMA * updated_loads
            + exploration).reshape(1, E).astype(jnp.float32)

    lg = _tc_logits(x2, W, bias)
    wflat, iflat, part = _sc_route(lg)

    routing_weights = wflat.reshape(B, S, TOP_K)
    expert_indices = iflat.reshape(B, S, TOP_K)
    part = part.reshape(NW, 2, E)
    cnt_tot = jnp.sum(part[:, 0, :], axis=0)
    prob_tot = jnp.sum(part[:, 1, :], axis=0)
    tf = jnp.float32(B * S)
    aux = jnp.sum(cnt_tot * prob_tot) * NUM_EXPERTS / (tf * tf)
    return routing_weights, expert_indices, aux

# --- scband reference (transcript-rebuilt; emitter-appended) ---
"""Pipeline reference for scband-rdesirouter-25348896981064 (READ-ONLY COPY).

The authoritative reference and input builder live on the scoring server;
editing this copy changes nothing except your own understanding.
"""

import jax, jax.numpy as jnp
import numpy as np

HIDDEN = 2048
NUM_EXPERTS = 16
TOP_K = 2
BETA = 0.1
GAMMA = 0.1
EXPLORATION_C = 0.1
LOAD_EMA_ALPHA = 0.9


def setup_inputs(seed: int = 0) -> dict:
    key = jax.random.key(seed)
    k1, k2 = jax.random.split(key)
    x = jax.random.normal(k1, (4, 2048, HIDDEN), dtype=jnp.float32)
    bound = 1.0 / np.sqrt(HIDDEN)
    W = jax.random.uniform(k2, (NUM_EXPERTS, HIDDEN), minval=-bound, maxval=bound, dtype=jnp.float32)
    reputation_scores = jnp.zeros((NUM_EXPERTS,), dtype=jnp.float32)
    expert_loads = jnp.zeros((NUM_EXPERTS,), dtype=jnp.float32)
    expert_counts = jnp.zeros((NUM_EXPERTS,), dtype=jnp.float32)
    total_routing_decisions = jnp.array(0.0, dtype=jnp.float32)
    return {
        'x': x,
        'W': W,
        'reputation_scores': reputation_scores,
        'expert_loads': expert_loads,
        'expert_counts': expert_counts,
        'total_routing_decisions': total_routing_decisions,
    }


def reference(x, W, reputation_scores, expert_loads, expert_counts, total_routing_decisions):
    B, S, H = x.shape
    x_reshaped = x.reshape(-1, H)
    base_logits = x_reshaped @ W.T  # [T, E]
    # current_batch_assignments is None -> current_loads = expert_loads
    current_loads = expert_loads
    updated_loads = LOAD_EMA_ALPHA * current_loads + (1.0 - LOAD_EMA_ALPHA) * expert_loads
    # exploration bonus (UCB-style)
    epsilon = 1e-10
    exploration_term = EXPLORATION_C * jnp.sqrt(jnp.log(total_routing_decisions + 1.0) / (expert_counts[None, :] + epsilon))
    exploration_bonus = jnp.broadcast_to(exploration_term, base_logits.shape)
    selection_scores = base_logits + BETA * reputation_scores[None, :] - GAMMA * updated_loads[None, :] + exploration_bonus
    top_k_scores, top_k_indices = jax.lax.top_k(selection_scores, TOP_K)
    routing_weights = jax.nn.softmax(top_k_scores, axis=-1)
    routing_weights = routing_weights.reshape(B, S, TOP_K)
    expert_indices = top_k_indices.reshape(B, S, TOP_K)
    # differentiable load-balancing aux loss
    router_probs = jax.nn.softmax(selection_scores.astype(jnp.float32), axis=-1)
    flat_expert_indices = expert_indices.reshape(-1, TOP_K)
    expert_gate = jax.nn.one_hot(flat_expert_indices, NUM_EXPERTS, dtype=jnp.float32).sum(axis=1)  # [T, E]
    tokens_per_expert = jnp.mean(expert_gate, axis=0)
    router_prob_per_expert = jnp.mean(router_probs, axis=0)
    aux_loss = (tokens_per_expert * router_prob_per_expert).sum() * NUM_EXPERTS
    return (routing_weights, expert_indices, aux_loss)

if __name__ == "__main__":
    import jax
    _d = setup_inputs()
    print(jax.jit(kernel)(*tuple(_d.values())))

</pallas_src>

<mosaic_0001>
#map = affine_map<(d0, d1) -> (0, 0)>
#map1 = affine_map<(d0, d1) -> (0)>
module attributes {stable_mosaic.version = 14 : i64} {
  func.func @_sc_route(%arg0: i32, %arg1: i32, %arg2: memref<8192x16xf32, #tpu.memory_space<hbm>>, %arg3: memref<8192x2xf32, #tpu.memory_space<hbm>>, %arg4: memref<8192x2xi32, #tpu.memory_space<hbm>>, %arg5: memref<1024xf32, #tpu.memory_space<hbm>>, %arg6: memref<256x16xf32, #tpu.memory_space<vmem>>, %arg7: memref<256x2xf32, #tpu.memory_space<vmem>>, %arg8: memref<256x2xi32, #tpu.memory_space<vmem>>, %arg9: memref<16xf32, #tpu.memory_space<vmem>>, %arg10: memref<256xf32, #tpu.memory_space<vmem>>, %arg11: memref<32xf32, #tpu.memory_space<vmem>>) attributes {dimension_semantics = [#tpu.dimension_semantics<core_parallel>, #tpu.dimension_semantics<subcore_parallel>], iteration_bounds = array<i64: 2, 16>, scalar_prefetch = 0 : i64, scratch_operands = 6 : i64, tpu.core_type = #tpu.core_type<sc_vector_subcore>, window_params = [{transform_indices = #map}, {transform_indices = #map}, {transform_indices = #map}, {transform_indices = #map1}]} {
    %mul3A = arith.constant 2 : i32
    %mul3A_0 = arith.muli %arg1, %mul3A : i32
    %add3A = arith.addi %mul3A_0, %arg0 : i32
    %mul3A_1 = arith.constant 256 : i32
    %mul3A_2 = arith.muli %add3A, %mul3A_1 : i32
    "tpu.region"() ({
      %run_scoped3A = tpu.sem_alloc : memref<!tpu.dma_semaphore, #tpu.memory_space<semaphore_mem>>
      %dma_start3A = arith.constant 0 : i32
      %dma_start3A_174 = tpu.memref_slice %arg2[%mul3A_2, %dma_start3A] : memref<8192x16xf32, #tpu.memory_space<hbm>> -> memref<256x16xf32, #tpu.memory_space<hbm>>
      %dma_start3A_175 = arith.constant 0 : i32
      %dma_start3A_176 = tpu.memref_slice %arg2[%mul3A_2, %dma_start3A_175] : memref<8192x16xf32, #tpu.memory_space<hbm>> -> memref<256x16xf32, #tpu.memory_space<hbm>>
      tpu.enqueue_dma source(%dma_start3A_176 : memref<256x16xf32, #tpu.memory_space<hbm>>) target(%arg6 : memref<256x16xf32, #tpu.memory_space<vmem>>) target_semaphore(%run_scoped3A : memref<!tpu.dma_semaphore, #tpu.memory_space<semaphore_mem>>)
      %dma_wait3A = arith.constant 0 : i32
      %dma_wait3A_177 = tpu.memref_slice %arg2[%mul3A_2, %dma_wait3A] : memref<8192x16xf32, #tpu.memory_space<hbm>> -> memref<256x16xf32, #tpu.memory_space<hbm>>
      %dma_wait3A_178 = arith.constant 0 : i32
      %dma_wait3A_179 = tpu.memref_slice %arg2[%mul3A_2, %dma_wait3A_178] : memref<8192x16xf32, #tpu.memory_space<hbm>> -> memref<256x16xf32, #tpu.memory_space<hbm>>
      tpu.wait_dma2 semaphore(%run_scoped3A : memref<!tpu.dma_semaphore, #tpu.memory_space<semaphore_mem>>) src(%dma_wait3A_179 : memref<256x16xf32, #tpu.memory_space<hbm>>) dst(%arg6 : memref<256x16xf32, #tpu.memory_space<vmem>>)
      tpu.yield
    }) : () -> ()
    %iota3A = tpu.iota {dimensions = array<i32: 0>} : vector<16xi32>
    %broadcast_in_dim3A = arith.constant 1.000000e+00 : f32
    %broadcast_in_dim3A_3 = vector.broadcast %broadcast_in_dim3A : f32 to vector<16xf32>
    %broadcast_in_dim3A_4 = arith.constant 0.000000e+00 : f32
    %broadcast_in_dim3A_5 = vector.broadcast %broadcast_in_dim3A_4 : f32 to vector<16xf32>
    %broadcast_in_dim3A_6 = arith.constant 0.000000e+00 : f32
    %broadcast_in_dim3A_7 = vector.broadcast %broadcast_in_dim3A_6 : f32 to vector<16xf32>
    %swap3A = arith.constant 0 : index
    %swap3A_8 = tpu.vector_load %arg9[%swap3A] {strides = array<i32>} : memref<16xf32, #tpu.memory_space<vmem>>, vector<16xf32>,
    tpu.vector_store %arg9[%swap3A], %broadcast_in_dim3A_7 {strides = array<i32>} : memref<16xf32, #tpu.memory_space<vmem>>, vector<16xf32>,
    %swap3A_9 = arith.constant 0 : index
    %swap3A_10 = tpu.vector_load %arg10[%swap3A_9] {strides = array<i32>} : memref<256xf32, #tpu.memory_space<vmem>>, vector<16xf32>,
    tpu.vector_store %arg10[%swap3A_9], %broadcast_in_dim3A_5 {strides = array<i32>} : memref<256xf32, #tpu.memory_space<vmem>>, vector<16xf32>,
    %swap3A_11 = arith.constant 16 : index
    %swap3A_12 = tpu.vector_load %arg10[%swap3A_11] {strides = array<i32>} : memref<256xf32, #tpu.memory_space<vmem>>, vector<16xf32>,
    tpu.vector_store %arg10[%swap3A_11], %broadcast_in_dim3A_5 {strides = array<i32>} : memref<256xf32, #tpu.memory_space<vmem>>, vector<16xf32>,
    %swap3A_13 = arith.constant 32 : index
    %swap3A_14 = tpu.vector_load %arg10[%swap3A_13] {strides = array<i32>} : memref<256xf32, #tpu.memory_space<vmem>>, vector<16xf32>,
    tpu.vector_store %arg10[%swap3A_13], %broadcast_in_dim3A_5 {strides = array<i32>} : memref<256xf32, #tpu.memory_space<vmem>>, vector<16xf32>,
    %swap3A_15 = arith.constant 48 : index
    %swap3A_16 = tpu.vector_load %arg10[%swap3A_15] {strides = array<i32>} : memref<256xf32, #tpu.memory_space<vmem>>, vector<16xf32>,
    tpu.vector_store %arg10[%swap3A_15], %broadcast_in_dim3A_5 {strides = array<i32>} : memref<256xf32, #tpu.memory_space<vmem>>, vector<16xf32>,
    %swap3A_17 = arith.constant 64 : index
    %swap3A_18 = tpu.vector_load %arg10[%swap3A_17] {strides = array<i32>} : memref<256xf32, #tpu.memory_space<vmem>>, vector<16xf32>,
    tpu.vector_store %arg10[%swap3A_17], %broadcast_in_dim3A_5 {strides = array<i32>} : memref<256xf32, #tpu.memory_space<vmem>>, vector<16xf32>,
    %swap3A_19 = arith.constant 80 : index
    %swap3A_20 = tpu.vector_load %arg10[%swap3A_19] {strides = array<i32>} : memref<256xf32, #tpu.memory_space<vmem>>, vector<16xf32>,
    tpu.vector_store %arg10[%swap3A_19], %broadcast_in_dim3A_5 {strides = array<i32>} : memref<256xf32, #tpu.memory_space<vmem>>, vector<16xf32>,
    %swap3A_21 = arith.constant 96 : index
    %swap3A_22 = tpu.vector_load %arg10[%swap3A_21] {strides = array<i32>} : memref<256xf32, #tpu.memory_space<vmem>>, vector<16xf32>,
    tpu.vector_store %arg10[%swap3A_21], %broadcast_in_dim3A_5 {strides = array<i32>} : memref<256xf32, #tpu.memory_space<vmem>>, vector<16xf32>,
    %swap3A_23 = arith.constant 112 : index
    %swap3A_24 = tpu.vector_load %arg10[%swap3A_23] {strides = array<i32>} : memref<256xf32, #tpu.memory_space<vmem>>, vector<16xf32>,
    tpu.vector_store %arg10[%swap3A_23], %broadcast_in_dim3A_5 {strides = array<i32>} : memref<256xf32, #tpu.memory_space<vmem>>, vector<16xf32>,
    %swap3A_25 = arith.constant 128 : index
    %swap3A_26 = tpu.vector_load %arg10[%swap3A_25] {strides = array<i32>} : memref<256xf32, #tpu.memory_space<vmem>>, vector<16xf32>,
    tpu.vector_store %arg10[%swap3A_25], %broadcast_in_dim3A_5 {strides = array<i32>} : memref<256xf32, #tpu.memory_space<vmem>>, vector<16xf32>,
    %swap3A_27 = arith.constant 144 : index
    %swap3A_28 = tpu.vector_load %arg10[%swap3A_27] {strides = array<i32>} : memref<256xf32, #tpu.memory_space<vmem>>, vector<16xf32>,
    tpu.vector_store %arg10[%swap3A_27], %broadcast_in_dim3A_5 {strides = array<i32>} : memref<256xf32, #tpu.memory_space<vmem>>, vector<16xf32>,
    %swap3A_29 = arith.constant 160 : index
    %swap3A_30 = tpu.vector_load %arg10[%swap3A_29] {strides = array<i32>} : memref<256xf32, #tpu.memory_space<vmem>>, vector<16xf32>,
    tpu.vector_store %arg10[%swap3A_29], %broadcast_in_dim3A_5 {strides = array<i32>} : memref<256xf32, #tpu.memory_space<vmem>>, vector<16xf32>,
    %swap3A_31 = arith.constant 176 : index
    %swap3A_32 = tpu.vector_load %arg10[%swap3A_31] {strides = array<i32>} : memref<256xf32, #tpu.memory_space<vmem>>, vector<16xf32>,
    tpu.vector_store %arg10[%swap3A_31], %broadcast_in_dim3A_5 {strides = array<i32>} : memref<256xf32, #tpu.memory_space<vmem>>, vector<16xf32>,
    %swap3A_33 = arith.constant 192 : index
    %swap3A_34 = tpu.vector_load %arg10[%swap3A_33] {strides = array<i32>} : memref<256xf32, #tpu.memory_space<vmem>>, vector<16xf32>,
    tpu.vector_store %arg10[%swap3A_33], %broadcast_in_dim3A_5 {strides = array<i32>} : memref<256xf32, #tpu.memory_space<vmem>>, vector<16xf32>,
    %swap3A_35 = arith.constant 208 : index
    %swap3A_36 = tpu.vector_load %arg10[%swap3A_35] {strides = array<i32>} : memref<256xf32, #tpu.memory_space<vmem>>, vector<16xf32>,
    tpu.vector_store %arg10[%swap3A_35], %broadcast_in_dim3A_5 {strides = array<i32>} : memref<256xf32, #tpu.memory_space<vmem>>, vector<16xf32>,
    %swap3A_37 = arith.constant 224 : index
    %swap3A_38 = tpu.vector_load %arg10[%swap3A_37] {strides = array<i32>} : memref<256xf32, #tpu.memory_space<vmem>>, vector<16xf32>,
    tpu.vector_store %arg10[%swap3A_37], %broadcast_in_dim3A_5 {strides = array<i32>} : memref<256xf32, #tpu.memory_space<vmem>>, vector<16xf32>,
    %swap3A_39 = arith.constant 240 : index
    %swap3A_40 = tpu.vector_load %arg10[%swap3A_39] {strides = array<i32>} : memref<256xf32, #tpu.memory_space<vmem>>, vector<16xf32>,
    tpu.vector_store %arg10[%swap3A_39], %broadcast_in_dim3A_5 {strides = array<i32>} : memref<256xf32, #tpu.memory_space<vmem>>, vector<16xf32>,
    %broadcast_in_dim3A_41 = arith.constant 0 : i32
    %broadcast_in_dim3A_42 = vector.broadcast %broadcast_in_dim3A_41 : i32 to vector<16xi32>
    %broadcast_in_dim3A_43 = arith.constant 1 : i32
    %broadcast_in_dim3A_44 = vector.broadcast %broadcast_in_dim3A_43 : i32 to vector<16xi32>
    %broadcast_in_dim3A_45 = arith.constant 0 : i32
    %broadcast_in_dim3A_46 = vector.broadcast %broadcast_in_dim3A_45 : i32 to vector<16xi32>
    %broadcast_in_dim3A_47 = arith.constant 1 : i32
    %broadcast_in_dim3A_48 = vector.broadcast %broadcast_in_dim3A_47 : i32 to vector<16xi32>
    %broadcast_in_dim3A_49 = arith.constant 2 : i32
    %broadcast_in_dim3A_50 = vector.broadcast %broadcast_in_dim3A_49 : i32 to vector<16xi32>
    %broadcast_in_dim3A_51 = arith.constant 3 : i32
    %broadcast_in_dim3A_52 = vector.broadcast %broadcast_in_dim3A_51 : i32 to vector<16xi32>
    %broadcast_in_dim3A_53 = arith.constant 4 : i32
    %broadcast_in_dim3A_54 = vector.broadcast %broadcast_in_dim3A_53 : i32 to vector<16xi32>
    %broadcast_in_dim3A_55 = arith.constant 5 : i32
    %broadcast_in_dim3A_56 = vector.broadcast %broadcast_in_dim3A_55 : i32 to vector<16xi32>
    %broadcast_in_dim3A_57 = arith.constant 6 : i32
    %broadcast_in_dim3A_58 = vector.broadcast %broadcast_in_dim3A_57 : i32 to vector<16xi32>
    %broadcast_in_dim3A_59 = arith.constant 7 : i32
    %broadcast_in_dim3A_60 = vector.broadcast %broadcast_in_dim3A_59 : i32 to vector<16xi32>
    %broadcast_in_dim3A_61 = arith.constant 8 : i32
    %broadcast_in_dim3A_62 = vector.broadcast %broadcast_in_dim3A_61 : i32 to vector<16xi32>
    %broadcast_in_dim3A_63 = arith.constant 9 : i32
    %broadcast_in_dim3A_64 = vector.broadcast %broadcast_in_dim3A_63 : i32 to vector<16xi32>
    %broadcast_in_dim3A_65 = arith.constant 10 : i32
    %broadcast_in_dim3A_66 = vector.broadcast %broadcast_in_dim3A_65 : i32 to vector<16xi32>
    %broadcast_in_dim3A_67 = arith.constant 11 : i32
    %broadcast_in_dim3A_68 = vector.broadcast %broadcast_in_dim3A_67 : i32 to vector<16xi32>
    %broadcast_in_dim3A_69 = arith.constant 12 : i32
    %broadcast_in_dim3A_70 = vector.broadcast %broadcast_in_dim3A_69 : i32 to vector<16xi32>
    %broadcast_in_dim3A_71 = arith.constant 13 : i32
    %broadcast_in_dim3A_72 = vector.broadcast %broadcast_in_dim3A_71 : i32 to vector<16xi32>
    %broadcast_in_dim3A_73 = arith.constant 14 : i32
    %broadcast_in_dim3A_74 = vector.broadcast %broadcast_in_dim3A_73 : i32 to vector<16xi32>
    %broadcast_in_dim3A_75 = arith.constant 15 : i32
    %broadcast_in_dim3A_76 = vector.broadcast %broadcast_in_dim3A_75 : i32 to vector<16xi32>
    %scan3A = arith.constant 0 : i32
    %scan3A_77 = arith.constant 16 : i32
    %scan3A_78 = arith.addi %scan3A, %scan3A_77 : i32
    %scan3A_79 = arith.constant 1 : i32
    scf.for %scan3A_174 = %scan3A to %scan3A_78 step %scan3A_79  : i32 {
      %mul3A_175 = arith.constant 1 : i32
      %mul3A_176 = arith.muli %scan3A_174, %mul3A_175 : i32
      %add3A_177 = arith.constant 0 : i32
      %add3A_178 = arith.addi %add3A_177, %mul3A_176 : i32
      %mul3A_179 = arith.constant 16 : i32
      %mul3A_180 = arith.muli %add3A_178, %mul3A_179 : i32
      %add3A_181 = vector.broadcast %mul3A_180 : i32 to vector<16xi32>
      %add3A_182 = arith.addi %iota3A, %add3A_181 : vector<16xi32>
      %gather3A_183 = tpu.vector_load_idx %arg6[%add3A_182, %broadcast_in_dim3A_46] : memref<256x16xf32, #tpu.memory_space<vmem>>[vector<16xi32>, vector<16xi32>], vector<16xf32>,
      %gather3A_184 = tpu.vector_load_idx %arg6[%add3A_182, %broadcast_in_dim3A_48] : memref<256x16xf32, #tpu.memory_space<vmem>>[vector<16xi32>, vector<16xi32>], vector<16xf32>,
      %gather3A_185 = tpu.vector_load_idx %arg6[%add3A_182, %broadcast_in_dim3A_50] : memref<256x16xf32, #tpu.memory_space<vmem>>[vector<16xi32>, vector<16xi32>], vector<16xf32>,
      %gather3A_186 = tpu.vector_load_idx %arg6[%add3A_182, %broadcast_in_dim3A_52] : memref<256x16xf32, #tpu.memory_space<vmem>>[vector<16xi32>, vector<16xi32>], vector<16xf32>,
      %gather3A_187 = tpu.vector_load_idx %arg6[%add3A_182, %broadcast_in_dim3A_54] : memref<256x16xf32, #tpu.memory_space<vmem>>[vector<16xi32>, vector<16xi32>], vector<16xf32>,
      %gather3A_188 = tpu.vector_load_idx %arg6[%add3A_182, %broadcast_in_dim3A_56] : memref<256x16xf32, #tpu.memory_space<vmem>>[vector<16xi32>, vector<16xi32>], vector<16xf32>,
      %gather3A_189 = tpu.vector_load_idx %arg6[%add3A_182, %broadcast_in_dim3A_58] : memref<256x16xf32, #tpu.memory_space<vmem>>[vector<16xi32>, vector<16xi32>], vector<16xf32>,
      %gather3A_190 = tpu.vector_load_idx %arg6[%add3A_182, %broadcast_in_dim3A_60] : memref<256x16xf32, #tpu.memory_space<vmem>>[vector<16xi32>, vector<16xi32>], vector<16xf32>,
      %gather3A_191 = tpu.vector_load_idx %arg6[%add3A_182, %broadcast_in_dim3A_62] : memref<256x16xf32, #tpu.memory_space<vmem>>[vector<16xi32>, vector<16xi32>], vector<16xf32>,
      %gather3A_192 = tpu.vector_load_idx %arg6[%add3A_182, %broadcast_in_dim3A_64] : memref<256x16xf32, #tpu.memory_space<vmem>>[vector<16xi32>, vector<16xi32>], vector<16xf32>,
      %gather3A_193 = tpu.vector_load_idx %arg6[%add3A_182, %broadcast_in_dim3A_66] : memref<256x16xf32, #tpu.memory_space<vmem>>[vector<16xi32>, vector<16xi32>], vector<16xf32>,
      %gather3A_194 = tpu.vector_load_idx %arg6[%add3A_182, %broadcast_in_dim3A_68] : memref<256x16xf32, #tpu.memory_space<vmem>>[vector<16xi32>, vector<16xi32>], vector<16xf32>,
      %gather3A_195 = tpu.vector_load_idx %arg6[%add3A_182, %broadcast_in_dim3A_70] : memref<256x16xf32, #tpu.memory_space<vmem>>[vector<16xi32>, vector<16xi32>], vector<16xf32>,
      %gather3A_196 = tpu.vector_load_idx %arg6[%add3A_182, %broadcast_in_dim3A_72] : memref<256x16xf32, #tpu.memory_space<vmem>>[vector<16xi32>, vector<16xi32>], vector<16xf32>,
      %gather3A_197 = tpu.vector_load_idx %arg6[%add3A_182, %broadcast_in_dim3A_74] : memref<256x16xf32, #tpu.memory_space<vmem>>[vector<16xi32>, vector<16xi32>], vector<16xf32>,
      %gather3A_198 = tpu.vector_load_idx %arg6[%add3A_182, %broadcast_in_dim3A_76] : memref<256x16xf32, #tpu.memory_space<vmem>>[vector<16xi32>, vector<16xi32>], vector<16xf32>,
      %broadcast_in_dim3A_199 = arith.constant 0 : i32
      %broadcast_in_dim3A_200 = vector.broadcast %broadcast_in_dim3A_199 : i32 to vector<16xi32>
      %broadcast_in_dim3A_201 = arith.constant 0xFF800000 : f32
      %broadcast_in_dim3A_202 = vector.broadcast %broadcast_in_dim3A_201 : f32 to vector<16xf32>
      %broadcast_in_dim3A_203 = arith.constant 0 : i32
      %broadcast_in_dim3A_204 = vector.broadcast %broadcast_in_dim3A_203 : i32 to vector<16xi32>
      %gt3A = arith.cmpf ogt, %gather3A_184, %gather3A_183 : vector<16xf32>
      %gt3A_205 = arith.cmpf ogt, %gather3A_184, %broadcast_in_dim3A_202 : vector<16xf32>
      %select_n3A = arith.select %gt3A_205, %gather3A_184, %broadcast_in_dim3A_202 : vector<16xi1>, vector<16xf32>
      %select_n3A_206 = arith.select %gt3A_205, %broadcast_in_dim3A_48, %broadcast_in_dim3A_204 : vector<16xi1>, vector<16xi32>
      %select_n3A_207 = arith.select %gt3A, %gather3A_183, %select_n3A : vector<16xi1>, vector<16xf32>
      %select_n3A_208 = arith.select %gt3A, %broadcast_in_dim3A_200, %select_n3A_206 : vector<16xi1>, vector<16xi32>
      %select_n3A_209 = arith.select %gt3A, %gather3A_184, %gather3A_183 : vector<16xi1>, vector<16xf32>
      %select_n3A_210 = arith.select %gt3A, %broadcast_in_dim3A_48, %broadcast_in_dim3A_200 : vector<16xi1>, vector<16xi32>
      %gt3A_211 = arith.cmpf ogt, %gather3A_185, %select_n3A_209 : vector<16xf32>
      %gt3A_212 = arith.cmpf ogt, %gather3A_185, %select_n3A_207 : vector<16xf32>
      %select_n3A_213 = arith.select %gt3A_212, %gather3A_185, %select_n3A_207 : vector<16xi1>, vector<16xf32>
      %select_n3A_214 = arith.select %gt3A_212, %broadcast_in_dim3A_50, %select_n3A_208 : vector<16xi1>, vector<16xi32>
      %select_n3A_215 = arith.select %gt3A_211, %select_n3A_209, %select_n3A_213 : vector<16xi1>, vector<16xf32>
      %select_n3A_216 = arith.select %gt3A_211, %select_n3A_210, %select_n3A_214 : vector<16xi1>, vector<16xi32>
      %select_n3A_217 = arith.select %gt3A_211, %gather3A_185, %select_n3A_209 : vector<16xi1>, vector<16xf32>
      %select_n3A_218 = arith.select %gt3A_211, %broadcast_in_dim3A_50, %select_n3A_210 : vector<16xi1>, vector<16xi32>
      %gt3A_219 = arith.cmpf ogt, %gather3A_186, %select_n3A_217 : vector<16xf32>
      %gt3A_220 = arith.cmpf ogt, %gather3A_186, %select_n3A_215 : vector<16xf32>
      %select_n3A_221 = arith.select %gt3A_220, %gather3A_186, %select_n3A_215 : vector<16xi1>, vector<16xf32>
      %select_n3A_222 = arith.select %gt3A_220, %broadcast_in_dim3A_52, %select_n3A_216 : vector<16xi1>, vector<16xi32>
      %select_n3A_223 = arith.select %gt3A_219, %select_n3A_217, %select_n3A_221 : vector<16xi1>, vector<16xf32>
      %select_n3A_224 = arith.select %gt3A_219, %select_n3A_218, %select_n3A_222 : vector<16xi1>, vector<16xi32>
      %select_n3A_225 = arith.select %gt3A_219, %gather3A_186, %select_n3A_217 : vector<16xi1>, vector<16xf32>
      %select_n3A_226 = arith.select %gt3A_219, %broadcast_in_dim3A_52, %select_n3A_218 : vector<16xi1>, vector<16xi32>
      %gt3A_227 = arith.cmpf ogt, %gather3A_187, %select_n3A_225 : vector<16xf32>
      %gt3A_228 = arith.cmpf ogt, %gather3A_187, %select_n3A_223 : vector<16xf32>
      %select_n3A_229 = arith.select %gt3A_228, %gather3A_187, %select_n3A_223 : vector<16xi1>, vector<16xf32>
      %select_n3A_230 = arith.select %gt3A_228, %broadcast_in_dim3A_54, %select_n3A_224 : vector<16xi1>, vector<16xi32>
      %select_n3A_231 = arith.select %gt3A_227, %select_n3A_225, %select_n3A_229 : vector<16xi1>, vector<16xf32>
      %select_n3A_232 = arith.select %gt3A_227, %select_n3A_226, %select_n3A_230 : vector<16xi1>, vector<16xi32>
      %select_n3A_233 = arith.select %gt3A_227, %gather3A_187, %select_n3A_225 : vector<16xi1>, vector<16xf32>
      %select_n3A_234 = arith.select %gt3A_227, %broadcast_in_dim3A_54, %select_n3A_226 : vector<16xi1>, vector<16xi32>
      %gt3A_235 = arith.cmpf ogt, %gather3A_188, %select_n3A_233 : vector<16xf32>
      %gt3A_236 = arith.cmpf ogt, %gather3A_188, %select_n3A_231 : vector<16xf32>
      %select_n3A_237 = arith.select %gt3A_236, %gather3A_188, %select_n3A_231 : vector<16xi1>, vector<16xf32>
      %select_n3A_238 = arith.select %gt3A_236, %broadcast_in_dim3A_56, %select_n3A_232 : vector<16xi1>, vector<16xi32>
      %select_n3A_239 = arith.select %gt3A_235, %select_n3A_233, %select_n3A_237 : vector<16xi1>, vector<16xf32>
      %select_n3A_240 = arith.select %gt3A_235, %select_n3A_234, %select_n3A_238 : vector<16xi1>, vector<16xi32>
      %select_n3A_241 = arith.select %gt3A_235, %gather3A_188, %select_n3A_233 : vector<16xi1>, vector<16xf32>
      %select_n3A_242 = arith.select %gt3A_235, %broadcast_in_dim3A_56, %select_n3A_234 : vector<16xi1>, vector<16xi32>
      %gt3A_243 = arith.cmpf ogt, %gather3A_189, %select_n3A_241 : vector<16xf32>
      %gt3A_244 = arith.cmpf ogt, %gather3A_189, %select_n3A_239 : vector<16xf32>
      %select_n3A_245 = arith.select %gt3A_244, %gather3A_189, %select_n3A_239 : vector<16xi1>, vector<16xf32>
      %select_n3A_246 = arith.select %gt3A_244, %broadcast_in_dim3A_58, %select_n3A_240 : vector<16xi1>, vector<16xi32>
      %select_n3A_247 = arith.select %gt3A_243, %select_n3A_241, %select_n3A_245 : vector<16xi1>, vector<16xf32>
      %select_n3A_248 = arith.select %gt3A_243, %select_n3A_242, %select_n3A_246 : vector<16xi1>, vector<16xi32>
      %select_n3A_249 = arith.select %gt3A_243, %gather3A_189, %select_n3A_241 : vector<16xi1>, vector<16xf32>
      %select_n3A_250 = arith.select %gt3A_243, %broadcast_in_dim3A_58, %select_n3A_242 : vector<16xi1>, vector<16xi32>
      %gt3A_251 = arith.cmpf ogt, %gather3A_190, %select_n3A_249 : vector<16xf32>
      %gt3A_252 = arith.cmpf ogt, %gather3A_190, %select_n3A_247 : vector<16xf32>
      %select_n3A_253 = arith.select %gt3A_252, %gather3A_190, %select_n3A_247 : vector<16xi1>, vector<16xf32>
      %select_n3A_254 = arith.select %gt3A_252, %broadcast_in_dim3A_60, %select_n3A_248 : vector<16xi1>, vector<16xi32>
      %select_n3A_255 = arith.select %gt3A_251, %select_n3A_249, %select_n3A_253 : vector<16xi1>, vector<16xf32>
      %select_n3A_256 = arith.select %gt3A_251, %select_n3A_250, %select_n3A_254 : vector<16xi1>, vector<16xi32>
      %select_n3A_257 = arith.select %gt3A_251, %gather3A_190, %select_n3A_249 : vector<16xi1>, vector<16xf32>
      %select_n3A_258 = arith.select %gt3A_251, %broadcast_in_dim3A_60, %select_n3A_250 : vector<16xi1>, vector<16xi32>
      %gt3A_259 = arith.cmpf ogt, %gather3A_191, %select_n3A_257 : vector<16xf32>
      %gt3A_260 = arith.cmpf ogt, %gather3A_191, %select_n3A_255 : vector<16xf32>
      %select_n3A_261 = arith.select %gt3A_260, %gather3A_191, %select_n3A_255 : vector<16xi1>, vector<16xf32>
      %select_n3A_262 = arith.select %gt3A_260, %broadcast_in_dim3A_62, %select_n3A_256 : vector<16xi1>, vector<16xi32>
      %select_n3A_263 = arith.select %gt3A_259, %select_n3A_257, %select_n3A_261 : vector<16xi1>, vector<16xf32>
      %select_n3A_264 = arith.select %gt3A_259, %select_n3A_258, %select_n3A_262 : vector<16xi1>, vector<16xi32>
      %select_n3A_265 = arith.select %gt3A_259, %gather3A_191, %select_n3A_257 : vector<16xi1>, vector<16xf32>
      %select_n3A_266 = arith.select %gt3A_259, %broadcast_in_dim3A_62, %select_n3A_258 : vector<16xi1>, vector<16xi32>
      %gt3A_267 = arith.cmpf ogt, %gather3A_192, %select_n3A_265 : vector<16xf32>
      %gt3A_268 = arith.cmpf ogt, %gather3A_192, %select_n3A_263 : vector<16xf32>
      %select_n3A_269 = arith.select %gt3A_268, %gather3A_192, %select_n3A_263 : vector<16xi1>, vector<16xf32>
      %select_n3A_270 = arith.select %gt3A_268, %broadcast_in_dim3A_64, %select_n3A_264 : vector<16xi1>, vector<16xi32>
      %select_n3A_271 = arith.select %gt3A_267, %select_n3A_265, %select_n3A_269 : vector<16xi1>, vector<16xf32>
      %select_n3A_272 = arith.select %gt3A_267, %select_n3A_266, %select_n3A_270 : vector<16xi1>, vector<16xi32>
      %select_n3A_273 = arith.select %gt3A_267, %gather3A_192, %select_n3A_265 : vector<16xi1>, vector<16xf32>
      %select_n3A_274 = arith.select %gt3A_267, %broadcast_in_dim3A_64, %select_n3A_266 : vector<16xi1>, vector<16xi32>
      %gt3A_275 = arith.cmpf ogt, %gather3A_193, %select_n3A_273 : vector<16xf32>
      %gt3A_276 = arith.cmpf ogt, %gather3A_193, %select_n3A_271 : vector<16xf32>
      %select_n3A_277 = arith.select %gt3A_276, %gather3A_193, %select_n3A_271 : vector<16xi1>, vector<16xf32>
      %select_n3A_278 = arith.select %gt3A_276, %broadcast_in_dim3A_66, %select_n3A_272 : vector<16xi1>, vector<16xi32>
      %select_n3A_279 = arith.select %gt3A_275, %select_n3A_273, %select_n3A_277 : vector<16xi1>, vector<16xf32>
      %select_n3A_280 = arith.select %gt3A_275, %select_n3A_274, %select_n3A_278 : vector<16xi1>, vector<16xi32>
      %select_n3A_281 = arith.select %gt3A_275, %gather3A_193, %select_n3A_273 : vector<16xi1>, vector<16xf32>
      %select_n3A_282 = arith.select %gt3A_275, %broadcast_in_dim3A_66, %select_n3A_274 : vector<16xi1>, vector<16xi32>
      %gt3A_283 = arith.cmpf ogt, %gather3A_194, %select_n3A_281 : vector<16xf32>
      %gt3A_284 = arith.cmpf ogt, %gather3A_194, %select_n3A_279 : vector<16xf32>
      %select_n3A_285 = arith.select %gt3A_284, %gather3A_194, %select_n3A_279 : vector<16xi1>, vector<16xf32>
      %select_n3A_286 = arith.select %gt3A_284, %broadcast_in_dim3A_68, %select_n3A_280 : vector<16xi1>, vector<16xi32>
      %select_n3A_287 = arith.select %gt3A_283, %select_n3A_281, %select_n3A_285 : vector<16xi1>, vector<16xf32>
      %select_n3A_288 = arith.select %gt3A_283, %select_n3A_282, %select_n3A_286 : vector<16xi1>, vector<16xi32>
      %select_n3A_289 = arith.select %gt3A_283, %gather3A_194, %select_n3A_281 : vector<16xi1>, vector<16xf32>
      %select_n3A_290 = arith.select %gt3A_283, %broadcast_in_dim3A_68, %select_n3A_282 : vector<16xi1>, vector<16xi32>
      %gt3A_291 = arith.cmpf ogt, %gather3A_195, %select_n3A_289 : vector<16xf32>
      %gt3A_292 = arith.cmpf ogt, %gather3A_195, %select_n3A_287 : vector<16xf32>
      %select_n3A_293 = arith.select %gt3A_292, %gather3A_195, %select_n3A_287 : vector<16xi1>, vector<16xf32>
      %select_n3A_294 = arith.select %gt3A_292, %broadcast_in_dim3A_70, %select_n3A_288 : vector<16xi1>, vector<16xi32>
      %select_n3A_295 = arith.select %gt3A_291, %select_n3A_289, %select_n3A_293 : vector<16xi1>, vector<16xf32>
      %select_n3A_296 = arith.select %gt3A_291, %select_n3A_290, %select_n3A_294 : vector<16xi1>, vector<16xi32>
      %select_n3A_297 = arith.select %gt3A_291, %gather3A_195, %select_n3A_289 : vector<16xi1>, vector<16xf32>
      %select_n3A_298 = arith.select %gt3A_291, %broadcast_in_dim3A_70, %select_n3A_290 : vector<16xi1>, vector<16xi32>
      %gt3A_299 = arith.cmpf ogt, %gather3A_196, %select_n3A_297 : vector<16xf32>
      %gt3A_300 = arith.cmpf ogt, %gather3A_196, %select_n3A_295 : vector<16xf32>
      %select_n3A_301 = arith.select %gt3A_300, %gather3A_196, %select_n3A_295 : vector<16xi1>, vector<16xf32>
      %select_n3A_302 = arith.select %gt3A_300, %broadcast_in_dim3A_72, %select_n3A_296 : vector<16xi1>, vector<16xi32>
      %select_n3A_303 = arith.select %gt3A_299, %select_n3A_297, %select_n3A_301 : vector<16xi1>, vector<16xf32>
      %select_n3A_304 = arith.select %gt3A_299, %select_n3A_298, %select_n3A_302 : vector<16xi1>, vector<16xi32>
      %select_n3A_305 = arith.select %gt3A_299, %gather3A_196, %select_n3A_297 : vector<16xi1>, vector<16xf32>
      %select_n3A_306 = arith.select %gt3A_299, %broadcast_in_dim3A_72, %select_n3A_298 : vector<16xi1>, vector<16xi32>
      %gt3A_307 = arith.cmpf ogt, %gather3A_197, %select_n3A_305 : vector<16xf32>
      %gt3A_308 = arith.cmpf ogt, %gather3A_197, %select_n3A_303 : vector<16xf32>
      %select_n3A_309 = arith.select %gt3A_308, %gather3A_197, %select_n3A_303 : vector<16xi1>, vector<16xf32>
      %select_n3A_310 = arith.select %gt3A_308, %broadcast_in_dim3A_74, %select_n3A_304 : vector<16xi1>, vector<16xi32>
      %select_n3A_311 = arith.select %gt3A_307, %select_n3A_305, %select_n3A_309 : vector<16xi1>, vector<16xf32>
      %select_n3A_312 = arith.select %gt3A_307, %select_n3A_306, %select_n3A_310 : vector<16xi1>, vector<16xi32>
      %select_n3A_313 = arith.select %gt3A_307, %gather3A_197, %select_n3A_305 : vector<16xi1>, vector<16xf32>
      %select_n3A_314 = arith.select %gt3A_307, %broadcast_in_dim3A_74, %select_n3A_306 : vector<16xi1>, vector<16xi32>
      %gt3A_315 = arith.cmpf ogt, %gather3A_198, %select_n3A_313 : vector<16xf32>
      %gt3A_316 = arith.cmpf ogt, %gather3A_198, %select_n3A_311 : vector<16xf32>
      %select_n3A_317 = arith.select %gt3A_316, %gather3A_198, %select_n3A_311 : vector<16xi1>, vector<16xf32>
      %select_n3A_318 = arith.select %gt3A_316, %broadcast_in_dim3A_76, %select_n3A_312 : vector<16xi1>, vector<16xi32>
      %select_n3A_319 = arith.select %gt3A_315, %select_n3A_313, %select_n3A_317 : vector<16xi1>, vector<16xf32>
      %select_n3A_320 = arith.select %gt3A_315, %select_n3A_314, %select_n3A_318 : vector<16xi1>, vector<16xi32>
      %select_n3A_321 = arith.select %gt3A_315, %gather3A_198, %select_n3A_313 : vector<16xi1>, vector<16xf32>
      %select_n3A_322 = arith.select %gt3A_315, %broadcast_in_dim3A_76, %select_n3A_314 : vector<16xi1>, vector<16xi32>
      %sub3A = arith.subf %gather3A_183, %select_n3A_321 : vector<16xf32>
      %exp3A = math.exp %sub3A : vector<16xf32>
      %sub3A_323 = arith.subf %gather3A_184, %select_n3A_321 : vector<16xf32>
      %exp3A_324 = math.exp %sub3A_323 : vector<16xf32>
      %sub3A_325 = arith.subf %gather3A_185, %select_n3A_321 : vector<16xf32>
      %exp3A_326 = math.exp %sub3A_325 : vector<16xf32>
      %sub3A_327 = arith.subf %gather3A_186, %select_n3A_321 : vector<16xf32>
      %exp3A_328 = math.exp %sub3A_327 : vector<16xf32>
      %sub3A_329 = arith.subf %gather3A_187, %select_n3A_321 : vector<16xf32>
      %exp3A_330 = math.exp %sub3A_329 : vector<16xf32>
      %sub3A_331 = arith.subf %gather3A_188, %select_n3A_321 : vector<16xf32>
      %exp3A_332 = math.exp %sub3A_331 : vector<16xf32>
      %sub3A_333 = arith.subf %gather3A_189, %select_n3A_321 : vector<16xf32>
      %exp3A_334 = math.exp %sub3A_333 : vector<16xf32>
      %sub3A_335 = arith.subf %gather3A_190, %select_n3A_321 : vector<16xf32>
      %exp3A_336 = math.exp %sub3A_335 : vector<16xf32>
      %sub3A_337 = arith.subf %gather3A_191, %select_n3A_321 : vector<16xf32>
      %exp3A_338 = math.exp %sub3A_337 : vector<16xf32>
      %sub3A_339 = arith.subf %gather3A_192, %select_n3A_321 : vector<16xf32>
      %exp3A_340 = math.exp %sub3A_339 : vector<16xf32>
      %sub3A_341 = arith.subf %gather3A_193, %select_n3A_321 : vector<16xf32>
      %exp3A_342 = math.exp %sub3A_341 : vector<16xf32>
      %sub3A_343 = arith.subf %gather3A_194, %select_n3A_321 : vector<16xf32>
      %exp3A_344 = math.exp %sub3A_343 : vector<16xf32>
      %sub3A_345 = arith.subf %gather3A_195, %select_n3A_321 : vector<16xf32>
      %exp3A_346 = math.exp %sub3A_345 : vector<16xf32>
      %sub3A_347 = arith.subf %gather3A_196, %select_n3A_321 : vector<16xf32>
      %exp3A_348 = math.exp %sub3A_347 : vector<16xf32>
      %sub3A_349 = arith.subf %gather3A_197, %select_n3A_321 : vector<16xf32>
      %exp3A_350 = math.exp %sub3A_349 : vector<16xf32>
      %sub3A_351 = arith.subf %gather3A_198, %select_n3A_321 : vector<16xf32>
      %exp3A_352 = math.exp %sub3A_351 : vector<16xf32>
      %add3A_353 = arith.addf %exp3A, %exp3A_324 : vector<16xf32>
      %add3A_354 = arith.addf %add3A_353, %exp3A_326 : vector<16xf32>
      %add3A_355 = arith.addf %add3A_354, %exp3A_328 : vector<16xf32>
      %add3A_356 = arith.addf %add3A_355, %exp3A_330 : vector<16xf32>
      %add3A_357 = arith.addf %add3A_356, %exp3A_332 : vector<16xf32>
      %add3A_358 = arith.addf %add3A_357, %exp3A_334 : vector<16xf32>
      %add3A_359 = arith.addf %add3A_358, %exp3A_336 : vector<16xf32>
      %add3A_360 = arith.addf %add3A_359, %exp3A_338 : vector<16xf32>
      %add3A_361 = arith.addf %add3A_360, %exp3A_340 : vector<16xf32>
      %add3A_362 = arith.addf %add3A_361, %exp3A_342 : vector<16xf32>
      %add3A_363 = arith.addf %add3A_362, %exp3A_344 : vector<16xf32>
      %add3A_364 = arith.addf %add3A_363, %exp3A_346 : vector<16xf32>
      %add3A_365 = arith.addf %add3A_364, %exp3A_348 : vector<16xf32>
      %add3A_366 = arith.addf %add3A_365, %exp3A_350 : vector<16xf32>
      %add3A_367 = arith.addf %add3A_366, %exp3A_352 : vector<16xf32>
      %div3A = arith.constant 1.000000e+00 : f32
      %div3A_368 = vector.broadcast %div3A : f32 to vector<16xf32>
      %div3A_369 = arith.divf %div3A_368, %add3A_367 : vector<16xf32>
      %mul3A_370 = arith.mulf %exp3A, %div3A_369 : vector<16xf32>
      %swap3A_371 = arith.constant 0 : index
      %swap3A_372 = tpu.vector_load %arg10[%swap3A_371] {strides = array<i32>} : memref<256xf32, #tpu.memory_space<vmem>>, vector<16xf32>,
      tpu.vector_store %arg10[%swap3A_371], %mul3A_370 {add = true, strides = array<i32>} : memref<256xf32, #tpu.memory_space<vmem>>, vector<16xf32>,
      %mul3A_373 = arith.mulf %exp3A_324, %div3A_369 : vector<16xf32>
      %swap3A_374 = arith.constant 16 : index
      %swap3A_375 = tpu.vector_load %arg10[%swap3A_374] {strides = array<i32>} : memref<256xf32, #tpu.memory_space<vmem>>, vector<16xf32>,
      tpu.vector_store %arg10[%swap3A_374], %mul3A_373 {add = true, strides = array<i32>} : memref<256xf32, #tpu.memory_space<vmem>>, vector<16xf32>,
      %mul3A_376 = arith.mulf %exp3A_326, %div3A_369 : vector<16xf32>
      %swap3A_377 = arith.constant 32 : index
      %swap3A_378 = tpu.vector_load %arg10[%swap3A_377] {strides = array<i32>} : memref<256xf32, #tpu.memory_space<vmem>>, vector<16xf32>,
      tpu.vector_store %arg10[%swap3A_377], %mul3A_376 {add = true, strides = array<i32>} : memref<256xf32, #tpu.memory_space<vmem>>, vector<16xf32>,
      %mul3A_379 = arith.mulf %exp3A_328, %div3A_369 : vector<16xf32>
      %swap3A_380 = arith.constant 48 : index
      %swap3A_381 = tpu.vector_load %arg10[%swap3A_380] {strides = array<i32>} : memref<256xf32, #tpu.memory_space<vmem>>, vector<16xf32>,
      tpu.vector_store %arg10[%swap3A_380], %mul3A_379 {add = true, strides = array<i32>} : memref<256xf32, #tpu.memory_space<vmem>>, vector<16xf32>,
      %mul3A_382 = arith.mulf %exp3A_330, %div3A_369 : vector<16xf32>
      %swap3A_383 = arith.constant 64 : index
      %swap3A_384 = tpu.vector_load %arg10[%swap3A_383] {strides = array<i32>} : memref<256xf32, #tpu.memory_space<vmem>>, vector<16xf32>,
      tpu.vector_store %arg10[%swap3A_383], %mul3A_382 {add = true, strides = array<i32>} : memref<256xf32, #tpu.memory_space<vmem>>, vector<16xf32>,
      %mul3A_385 = arith.mulf %exp3A_332, %div3A_369 : vector<16xf32>
      %swap3A_386 = arith.constant 80 : index
      %swap3A_387 = tpu.vector_load %arg10[%swap3A_386] {strides = array<i32>} : memref<256xf32, #tpu.memory_space<vmem>>, vector<16xf32>,
      tpu.vector_store %arg10[%swap3A_386], %mul3A_385 {add = true, strides = array<i32>} : memref<256xf32, #tpu.memory_space<vmem>>, vector<16xf32>,
      %mul3A_388 = arith.mulf %exp3A_334, %div3A_369 : vector<16xf32>
      %swap3A_389 = arith.constant 96 : index
      %swap3A_390 = tpu.vector_load %arg10[%swap3A_389] {strides = array<i32>} : memref<256xf32, #tpu.memory_space<vmem>>, vector<16xf32>,
      tpu.vector_store %arg10[%swap3A_389], %mul3A_388 {add = true, strides = array<i32>} : memref<256xf32, #tpu.memory_space<vmem>>, vector<16xf32>,
      %mul3A_391 = arith.mulf %exp3A_336, %div3A_369 : vector<16xf32>
      %swap3A_392 = arith.constant 112 : index
      %swap3A_393 = tpu.vector_load %arg10[%swap3A_392] {strides = array<i32>} : memref<256xf32, #tpu.memory_space<vmem>>, vector<16xf32>,
      tpu.vector_store %arg10[%swap3A_392], %mul3A_391 {add = true, strides = array<i32>} : memref<256xf32, #tpu.memory_space<vmem>>, vector<16xf32>,
      %mul3A_394 = arith.mulf %exp3A_338, %div3A_369 : vector<16xf32>
      %swap3A_395 = arith.constant 128 : index
      %swap3A_396 = tpu.vector_load %arg10[%swap3A_395] {strides = array<i32>} : memref<256xf32, #tpu.memory_space<vmem>>, vector<16xf32>,
      tpu.vector_store %arg10[%swap3A_395], %mul3A_394 {add = true, strides = array<i32>} : memref<256xf32, #tpu.memory_space<vmem>>, vector<16xf32>,
      %mul3A_397 = arith.mulf %exp3A_340, %div3A_369 : vector<16xf32>
      %swap3A_398 = arith.constant 144 : index
      %swap3A_399 = tpu.vector_load %arg10[%swap3A_398] {strides = array<i32>} : memref<256xf32, #tpu.memory_space<vmem>>, vector<16xf32>,
      tpu.vector_store %arg10[%swap3A_398], %mul3A_397 {add = true, strides = array<i32>} : memref<256xf32, #tpu.memory_space<vmem>>, vector<16xf32>,
      %mul3A_400 = arith.mulf %exp3A_342, %div3A_369 : vector<16xf32>
      %swap3A_401 = arith.constant 160 : index
      %swap3A_402 = tpu.vector_load %arg10[%swap3A_401] {strides = array<i32>} : memref<256xf32, #tpu.memory_space<vmem>>, vector<16xf32>,
      tpu.vector_store %arg10[%swap3A_401], %mul3A_400 {add = true, strides = array<i32>} : memref<256xf32, #tpu.memory_space<vmem>>, vector<16xf32>,
      %mul3A_403 = arith.mulf %exp3A_344, %div3A_369 : vector<16xf32>
      %swap3A_404 = arith.constant 176 : index
      %swap3A_405 = tpu.vector_load %arg10[%swap3A_404] {strides = array<i32>} : memref<256xf32, #tpu.memory_space<vmem>>, vector<16xf32>,
      tpu.vector_store %arg10[%swap3A_404], %mul3A_403 {add = true, strides = array<i32>} : memref<256xf32, #tpu.memory_space<vmem>>, vector<16xf32>,
      %mul3A_406 = arith.mulf %exp3A_346, %div3A_369 : vector<16xf32>
      %swap3A_407 = arith.constant 192 : index
      %swap3A_408 = tpu.vector_load %arg10[%swap3A_407] {strides = array<i32>} : memref<256xf32, #tpu.memory_space<vmem>>, vector<16xf32>,
      tpu.vector_store %arg10[%swap3A_407], %mul3A_406 {add = true, strides = array<i32>} : memref<256xf32, #tpu.memory_space<vmem>>, vector<16xf32>,
      %mul3A_409 = arith.mulf %exp3A_348, %div3A_369 : vector<16xf32>
      %swap3A_410 = arith.constant 208 : index
      %swap3A_411 = tpu.vector_load %arg10[%swap3A_410] {strides = array<i32>} : memref<256xf32, #tpu.memory_space<vmem>>, vector<16xf32>,
      tpu.vector_store %arg10[%swap3A_410], %mul3A_409 {add = true, strides = array<i32>} : memref<256xf32, #tpu.memory_space<vmem>>, vector<16xf32>,
      %mul3A_412 = arith.mulf %exp3A_350, %div3A_369 : vector<16xf32>
      %swap3A_413 = arith.constant 224 : index
      %swap3A_414 = tpu.vector_load %arg10[%swap3A_413] {strides = array<i32>} : memref<256xf32, #tpu.memory_space<vmem>>, vector<16xf32>,
      tpu.vector_store %arg10[%swap3A_413], %mul3A_412 {add = true, strides = array<i32>} : memref<256xf32, #tpu.memory_space<vmem>>, vector<16xf32>,
      %mul3A_415 = arith.mulf %exp3A_352, %div3A_369 : vector<16xf32>
      %swap3A_416 = arith.constant 240 : index
      %swap3A_417 = tpu.vector_load %arg10[%swap3A_416] {strides = array<i32>} : memref<256xf32, #tpu.memory_space<vmem>>, vector<16xf32>,
      tpu.vector_store %arg10[%swap3A_416], %mul3A_415 {add = true, strides = array<i32>} : memref<256xf32, #tpu.memory_space<vmem>>, vector<16xf32>,
      %sub3A_418 = arith.subf %select_n3A_319, %select_n3A_321 : vector<16xf32>
      %exp3A_419 = math.exp %sub3A_418 : vector<16xf32>
      %add3A_420 = arith.constant 1.000000e+00 : f32
      %add3A_421 = vector.broadcast %add3A_420 : f32 to vector<16xf32>
      %add3A_422 = arith.addf %add3A_421, %exp3A_419 : vector<16xf32>
      %div3A_423 = arith.constant 1.000000e+00 : f32
      %div3A_424 = vector.broadcast %div3A_423 : f32 to vector<16xf32>
      %div3A_425 = arith.divf %div3A_424, %add3A_422 : vector<16xf32>
      %sub3A_426 = arith.constant 1.000000e+00 : f32
      %sub3A_427 = vector.broadcast %sub3A_426 : f32 to vector<16xf32>
      %sub3A_428 = arith.subf %sub3A_427, %div3A_425 : vector<16xf32>
      tpu.vector_store_idx %arg7[%add3A_182, %broadcast_in_dim3A_42], %div3A_425 : memref<256x2xf32, #tpu.memory_space<vmem>>[vector<16xi32>, vector<16xi32>], vector<16xf32>,
      tpu.vector_store_idx %arg7[%add3A_182, %broadcast_in_dim3A_44], %sub3A_428 : memref<256x2xf32, #tpu.memory_space<vmem>>[vector<16xi32>, vector<16xi32>], vector<16xf32>,
      tpu.vector_store_idx %arg8[%add3A_182, %broadcast_in_dim3A_42], %select_n3A_322 : memref<256x2xi32, #tpu.memory_space<vmem>>[vector<16xi32>, vector<16xi32>], vector<16xi32>,
      tpu.vector_store_idx %arg8[%add3A_182, %broadcast_in_dim3A_44], %select_n3A_320 : memref<256x2xi32, #tpu.memory_space<vmem>>[vector<16xi32>, vector<16xi32>], vector<16xi32>,
      tpu.vector_store_idx %arg9[%select_n3A_322], %broadcast_in_dim3A_3 {add = true} : memref<16xf32, #tpu.memory_space<vmem>>[vector<16xi32>], vector<16xf32>,
      tpu.vector_store_idx %arg9[%select_n3A_320], %broadcast_in_dim3A_3 {add = true} : memref<16xf32, #tpu.memory_space<vmem>>[vector<16xi32>], vector<16xf32>,
    }
    %scan3A_80 = arith.constant 16 : i32
    %mul3A_81 = arith.constant 16 : i32
    %mul3A_82 = vector.broadcast %mul3A_81 : i32 to vector<16xi32>
    %mul3A_83 = arith.muli %iota3A, %mul3A_82 : vector<16xi32>
    %broadcast_in_dim3A_84 = arith.constant 0.000000e+00 : f32
    %broadcast_in_dim3A_85 = vector.broadcast %broadcast_in_dim3A_84 : f32 to vector<16xf32>
    %add3A_86 = arith.constant 0 : i32
    %add3A_87 = vector.broadcast %add3A_86 : i32 to vector<16xi32>
    %add3A_88 = arith.addi %mul3A_83, %add3A_87 : vector<16xi32>
    %gather3A = tpu.vector_load_idx %arg10[%add3A_88] : memref<256xf32, #tpu.memory_space<vmem>>[vector<16xi32>], vector<16xf32>,
    %add3A_89 = arith.addf %broadcast_in_dim3A_85, %gather3A : vector<16xf32>
    %add3A_90 = arith.constant 1 : i32
    %add3A_91 = vector.broadcast %add3A_90 : i32 to vector<16xi32>
    %add3A_92 = arith.addi %mul3A_83, %add3A_91 : vector<16xi32>
    %gather3A_93 = tpu.vector_load_idx %arg10[%add3A_92] : memref<256xf32, #tpu.memory_space<vmem>>[vector<16xi32>], vector<16xf32>,
    %add3A_94 = arith.addf %add3A_89, %gather3A_93 : vector<16xf32>
    %add3A_95 = arith.constant 2 : i32
    %add3A_96 = vector.broadcast %add3A_95 : i32 to vector<16xi32>
    %add3A_97 = arith.addi %mul3A_83, %add3A_96 : vector<16xi32>
    %gather3A_98 = tpu.vector_load_idx %arg10[%add3A_97] : memref<256xf32, #tpu.memory_space<vmem>>[vector<16xi32>], vector<16xf32>,
    %add3A_99 = arith.addf %add3A_94, %gather3A_98 : vector<16xf32>
    %add3A_100 = arith.constant 3 : i32
    %add3A_101 = vector.broadcast %add3A_100 : i32 to vector<16xi32>
    %add3A_102 = arith.addi %mul3A_83, %add3A_101 : vector<16xi32>
    %gather3A_103 = tpu.vector_load_idx %arg10[%add3A_102] : memref<256xf32, #tpu.memory_space<vmem>>[vector<16xi32>], vector<16xf32>,
    %add3A_104 = arith.addf %add3A_99, %gather3A_103 : vector<16xf32>
    %add3A_105 = arith.constant 4 : i32
    %add3A_106 = vector.broadcast %add3A_105 : i32 to vector<16xi32>
    %add3A_107 = arith.addi %mul3A_83, %add3A_106 : vector<16xi32>
    %gather3A_108 = tpu.vector_load_idx %arg10[%add3A_107] : memref<256xf32, #tpu.memory_space<vmem>>[vector<16xi32>], vector<16xf32>,
    %add3A_109 = arith.addf %add3A_104, %gather3A_108 : vector<16xf32>
    %add3A_110 = arith.constant 5 : i32
    %add3A_111 = vector.broadcast %add3A_110 : i32 to vector<16xi32>
    %add3A_112 = arith.addi %mul3A_83, %add3A_111 : vector<16xi32>
    %gather3A_113 = tpu.vector_load_idx %arg10[%add3A_112] : memref<256xf32, #tpu.memory_space<vmem>>[vector<16xi32>], vector<16xf32>,
    %add3A_114 = arith.addf %add3A_109, %gather3A_113 : vector<16xf32>
    %add3A_115 = arith.constant 6 : i32
    %add3A_116 = vector.broadcast %add3A_115 : i32 to vector<16xi32>
    %add3A_117 = arith.addi %mul3A_83, %add3A_116 : vector<16xi32>
    %gather3A_118 = tpu.vector_load_idx %arg10[%add3A_117] : memref<256xf32, #tpu.memory_space<vmem>>[vector<16xi32>], vector<16xf32>,
    %add3A_119 = arith.addf %add3A_114, %gather3A_118 : vector<16xf32>
    %add3A_120 = arith.constant 7 : i32
    %add3A_121 = vector.broadcast %add3A_120 : i32 to vector<16xi32>
    %add3A_122 = arith.addi %mul3A_83, %add3A_121 : vector<16xi32>
    %gather3A_123 = tpu.vector_load_idx %arg10[%add3A_122] : memref<256xf32, #tpu.memory_space<vmem>>[vector<16xi32>], vector<16xf32>,
    %add3A_124 = arith.addf %add3A_119, %gather3A_123 : vector<16xf32>
    %add3A_125 = arith.constant 8 : i32
    %add3A_126 = vector.broadcast %add3A_125 : i32 to vector<16xi32>
    %add3A_127 = arith.addi %mul3A_83, %add3A_126 : vector<16xi32>
    %gather3A_128 = tpu.vector_load_idx %arg10[%add3A_127] : memref<256xf32, #tpu.memory_space<vmem>>[vector<16xi32>], vector<16xf32>,
    %add3A_129 = arith.addf %add3A_124, %gather3A_128 : vector<16xf32>
    %add3A_130 = arith.constant 9 : i32
    %add3A_131 = vector.broadcast %add3A_130 : i32 to vector<16xi32>
    %add3A_132 = arith.addi %mul3A_83, %add3A_131 : vector<16xi32>
    %gather3A_133 = tpu.vector_load_idx %arg10[%add3A_132] : memref<256xf32, #tpu.memory_space<vmem>>[vector<16xi32>], vector<16xf32>,
    %add3A_134 = arith.addf %add3A_129, %gather3A_133 : vector<16xf32>
    %add3A_135 = arith.constant 10 : i32
    %add3A_136 = vector.broadcast %add3A_135 : i32 to vector<16xi32>
    %add3A_137 = arith.addi %mul3A_83, %add3A_136 : vector<16xi32>
    %gather3A_138 = tpu.vector_load_idx %arg10[%add3A_137] : memref<256xf32, #tpu.memory_space<vmem>>[vector<16xi32>], vector<16xf32>,
    %add3A_139 = arith.addf %add3A_134, %gather3A_138 : vector<16xf32>
    %add3A_140 = arith.constant 11 : i32
    %add3A_141 = vector.broadcast %add3A_140 : i32 to vector<16xi32>
    %add3A_142 = arith.addi %mul3A_83, %add3A_141 : vector<16xi32>
    %gather3A_143 = tpu.vector_load_idx %arg10[%add3A_142] : memref<256xf32, #tpu.memory_space<vmem>>[vector<16xi32>], vector<16xf32>,
    %add3A_144 = arith.addf %add3A_139, %gather3A_143 : vector<16xf32>
    %add3A_145 = arith.constant 12 : i32
    %add3A_146 = vector.broadcast %add3A_145 : i32 to vector<16xi32>
    %add3A_147 = arith.addi %mul3A_83, %add3A_146 : vector<16xi32>
    %gather3A_148 = tpu.vector_load_idx %arg10[%add3A_147] : memref<256xf32, #tpu.memory_space<vmem>>[vector<16xi32>], vector<16xf32>,
    %add3A_149 = arith.addf %add3A_144, %gather3A_148 : vector<16xf32>
    %add3A_150 = arith.constant 13 : i32
    %add3A_151 = vector.broadcast %add3A_150 : i32 to vector<16xi32>
    %add3A_152 = arith.addi %mul3A_83, %add3A_151 : vector<16xi32>
    %gather3A_153 = tpu.vector_load_idx %arg10[%add3A_152] : memref<256xf32, #tpu.memory_space<vmem>>[vector<16xi32>], vector<16xf32>,
    %add3A_154 = arith.addf %add3A_149, %gather3A_153 : vector<16xf32>
    %add3A_155 = arith.constant 14 : i32
    %add3A_156 = vector.broadcast %add3A_155 : i32 to vector<16xi32>
    %add3A_157 = arith.addi %mul3A_83, %add3A_156 : vector<16xi32>
    %gather3A_158 = tpu.vector_load_idx %arg10[%add3A_157] : memref<256xf32, #tpu.memory_space<vmem>>[vector<16xi32>], vector<16xf32>,
    %add3A_159 = arith.addf %add3A_154, %gather3A_158 : vector<16xf32>
    %add3A_160 = arith.constant 15 : i32
    %add3A_161 = vector.broadcast %add3A_160 : i32 to vector<16xi32>
    %add3A_162 = arith.addi %mul3A_83, %add3A_161 : vector<16xi32>
    %gather3A_163 = tpu.vector_load_idx %arg10[%add3A_162] : memref<256xf32, #tpu.memory_space<vmem>>[vector<16xi32>], vector<16xf32>,
    %add3A_164 = arith.addf %add3A_159, %gather3A_163 : vector<16xf32>
    %get3A = arith.constant 0 : index
    %get3A_165 = tpu.vector_load %arg9[%get3A] {strides = array<i32>} : memref<16xf32, #tpu.memory_space<vmem>>, vector<16xf32>,
    %swap3A_166 = arith.constant 0 : index
    %swap3A_167 = tpu.vector_load %arg11[%swap3A_166] {strides = array<i32>} : memref<32xf32, #tpu.memory_space<vmem>>, vector<16xf32>,
    tpu.vector_store %arg11[%swap3A_166], %get3A_165 {strides = array<i32>} : memref<32xf32, #tpu.memory_space<vmem>>, vector<16xf32>,
    %swap3A_168 = arith.constant 16 : index
    %swap3A_169 = tpu.vector_load %arg11[%swap3A_168] {strides = array<i32>} : memref<32xf32, #tpu.memory_space<vmem>>, vector<16xf32>,
    tpu.vector_store %arg11[%swap3A_168], %add3A_164 {strides = array<i32>} : memref<32xf32, #tpu.memory_space<vmem>>, vector<16xf32>,
    "tpu.region"() ({
      %run_scoped3A = tpu.sem_alloc : memref<!tpu.dma_semaphore, #tpu.memory_space<semaphore_mem>>
      %dma_start3A = arith.constant 0 : i32
      %dma_start3A_174 = tpu.memref_slice %arg3[%mul3A_2, %dma_start3A] : memref<8192x2xf32, #tpu.memory_space<hbm>> -> memref<256x2xf32, #tpu.memory_space<hbm>>
      %dma_start3A_175 = arith.constant 0 : i32
      %dma_start3A_176 = tpu.memref_slice %arg3[%mul3A_2, %dma_start3A_175] : memref<8192x2xf32, #tpu.memory_space<hbm>> -> memref<256x2xf32, #tpu.memory_space<hbm>>
      tpu.enqueue_dma source(%arg7 : memref<256x2xf32, #tpu.memory_space<vmem>>) target(%dma_start3A_176 : memref<256x2xf32, #tpu.memory_space<hbm>>) target_semaphore(%run_scoped3A : memref<!tpu.dma_semaphore, #tpu.memory_space<semaphore_mem>>)
      %dma_wait3A = arith.constant 0 : i32
      %dma_wait3A_177 = tpu.memref_slice %arg3[%mul3A_2, %dma_wait3A] : memref<8192x2xf32, #tpu.memory_space<hbm>> -> memref<256x2xf32, #tpu.memory_space<hbm>>
      %dma_wait3A_178 = arith.constant 0 : i32
      %dma_wait3A_179 = tpu.memref_slice %arg3[%mul3A_2, %dma_wait3A_178] : memref<8192x2xf32, #tpu.memory_space<hbm>> -> memref<256x2xf32, #tpu.memory_space<hbm>>
      tpu.wait_dma2 semaphore(%run_scoped3A : memref<!tpu.dma_semaphore, #tpu.memory_space<semaphore_mem>>) src(%arg7 : memref<256x2xf32, #tpu.memory_space<vmem>>) dst(%dma_wait3A_179 : memref<256x2xf32, #tpu.memory_space<hbm>>)
      tpu.yield
    }) : () -> ()
    "tpu.region"() ({
      %run_scoped3A = tpu.sem_alloc : memref<!tpu.dma_semaphore, #tpu.memory_space<semaphore_mem>>
      %dma_start3A = arith.constant 0 : i32
      %dma_start3A_174 = tpu.memref_slice %arg4[%mul3A_2, %dma_start3A] : memref<8192x2xi32, #tpu.memory_space<hbm>> -> memref<256x2xi32, #tpu.memory_space<hbm>>
      %dma_start3A_175 = arith.constant 0 : i32
      %dma_start3A_176 = tpu.memref_slice %arg4[%mul3A_2, %dma_start3A_175] : memref<8192x2xi32, #tpu.memory_space<hbm>> -> memref<256x2xi32, #tpu.memory_space<hbm>>
      tpu.enqueue_dma source(%arg8 : memref<256x2xi32, #tpu.memory_space<vmem>>) target(%dma_start3A_176 : memref<256x2xi32, #tpu.memory_space<hbm>>) target_semaphore(%run_scoped3A : memref<!tpu.dma_semaphore, #tpu.memory_space<semaphore_mem>>)
      %dma_wait3A = arith.constant 0 : i32
      %dma_wait3A_177 = tpu.memref_slice %arg4[%mul3A_2, %dma_wait3A] : memref<8192x2xi32, #tpu.memory_space<hbm>> -> memref<256x2xi32, #tpu.memory_space<hbm>>
      %dma_wait3A_178 = arith.constant 0 : i32
      %dma_wait3A_179 = tpu.memref_slice %arg4[%mul3A_2, %dma_wait3A_178] : memref<8192x2xi32, #tpu.memory_space<hbm>> -> memref<256x2xi32, #tpu.memory_space<hbm>>
      tpu.wait_dma2 semaphore(%run_scoped3A : memref<!tpu.dma_semaphore, #tpu.memory_space<semaphore_mem>>) src(%arg8 : memref<256x2xi32, #tpu.memory_space<vmem>>) dst(%dma_wait3A_179 : memref<256x2xi32, #tpu.memory_space<hbm>>)
      tpu.yield
    }) : () -> ()
    %mul3A_170 = arith.constant 2 : i32
    %mul3A_171 = arith.muli %add3A, %mul3A_170 : i32
    %mul3A_172 = arith.constant 16 : i32
    %mul3A_173 = arith.muli %mul3A_171, %mul3A_172 : i32
    "tpu.region"() ({
      %run_scoped3A = tpu.sem_alloc : memref<!tpu.dma_semaphore, #tpu.memory_space<semaphore_mem>>
      %dma_start3A = tpu.memref_slice %arg5[%mul3A_173] : memref<1024xf32, #tpu.memory_space<hbm>> -> memref<32xf32, #tpu.memory_space<hbm>>
      %dma_start3A_174 = tpu.memref_slice %arg5[%mul3A_173] : memref<1024xf32, #tpu.memory_space<hbm>> -> memref<32xf32, #tpu.memory_space<hbm>>
      tpu.enqueue_dma source(%arg11 : memref<32xf32, #tpu.memory_space<vmem>>) target(%dma_start3A_174 : memref<32xf32, #tpu.memory_space<hbm>>) target_semaphore(%run_scoped3A : memref<!tpu.dma_semaphore, #tpu.memory_space<semaphore_mem>>)
      %dma_wait3A = tpu.memref_slice %arg5[%mul3A_173] : memref<1024xf32, #tpu.memory_space<hbm>> -> memref<32xf32, #tpu.memory_space<hbm>>
      %dma_wait3A_175 = tpu.memref_slice %arg5[%mul3A_173] : memref<1024xf32, #tpu.memory_space<hbm>> -> memref<32xf32, #tpu.memory_space<hbm>>
      tpu.wait_dma2 semaphore(%run_scoped3A : memref<!tpu.dma_semaphore, #tpu.memory_space<semaphore_mem>>) src(%arg11 : memref<32xf32, #tpu.memory_space<vmem>>) dst(%dma_wait3A_175 : memref<32xf32, #tpu.memory_space<hbm>>)
      tpu.yield
    }) : () -> ()
    return
  }
}

module attributes {stable_mosaic.version = 14 : i64} {
  func.func @_logits_block(%arg0: i32, %arg1: memref<1024x2048xf32, #tpu.memory_space<vmem>>, %arg2: memref<16x2048xf32, #tpu.memory_space<vmem>>, %arg3: memref<1x16xf32, #tpu.memory_space<vmem>>, %arg4: memref<1024x16xf32, #tpu.memory_space<vmem>>) attributes {dimension_semantics = [#tpu.dimension_semantics<arbitrary>], iteration_bounds = array<i64: 8>, scalar_prefetch = 0 : i64, scratch_operands = 0 : i64, tpu.core_type = #tpu.core_type<tc>, window_params = [{transform_indices = @transform_0, window_bounds = array<i64: 1024, 2048>}, {pipeline_mode = #tpu.pipeline_mode<synchronous>, transform_indices = @transform_1, window_bounds = array<i64: 16, 2048>}, {pipeline_mode = #tpu.pipeline_mode<synchronous>, transform_indices = @transform_2, window_bounds = array<i64: 1, 16>}, {transform_indices = @transform_3, window_bounds = array<i64: 1024, 16>}]} {
    %get3A = arith.constant 0 : index
    %get3A_0 = arith.constant 0 : index
    %get3A_1 = vector.load %arg1[%get3A, %get3A_0] : memref<1024x2048xf32, #tpu.memory_space<vmem>>, vector<1024x2048xf32>
    %get3A_2 = arith.constant 0 : index
    %get3A_3 = arith.constant 0 : index
    %get3A_4 = vector.load %arg2[%get3A_2, %get3A_3] : memref<16x2048xf32, #tpu.memory_space<vmem>>, vector<16x2048xf32>
    %dot_general3A = arith.constant dense<0.000000e+00> : vector<1024x16xf32>
    %dot_general3A_5 = tpu.matmul %get3A_1, %get3A_4, %dot_general3A {dimension_numbers = #tpu.dot_dimension_numbers<[1], [1], [0], [0], [0, 0, 1, 0], [], []>, transpose_lhs_hint = false} : vector<1024x2048xf32>, vector<16x2048xf32>, vector<1024x16xf32> -> vector<1024x16xf32>
    %get3A_6 = arith.constant 0 : index
    %get3A_7 = arith.constant 0 : index
    %get3A_8 = vector.load %arg3[%get3A_6, %get3A_7] : memref<1x16xf32, #tpu.memory_space<vmem>>, vector<1x16xf32>
    %add3A = vector.broadcast %get3A_8 : vector<1x16xf32> to vector<1024x16xf32>
    %add3A_9 = arith.addf %dot_general3A_5, %add3A : vector<1024x16xf32>
    %swap3A = arith.constant 0 : index
    %swap3A_10 = arith.constant 0 : index
    %swap3A_11 = vector.load %arg4[%swap3A, %swap3A_10] : memref<1024x16xf32, #tpu.memory_space<vmem>>, vector<1024x16xf32>
    tpu.vector_store %arg4[%swap3A, %swap3A_10], %add3A_9 {strides = array<i32>} : memref<1024x16xf32, #tpu.memory_space<vmem>>, vector<1024x16xf32>,
    return
  }
  func.func @transform_0(%arg0: i32) -> (i32, i32) {
    %c0_i32 = arith.constant 0 : i32
    %c0_i32_0 = arith.constant 0 : i32
    return %arg0, %c0_i32 : i32, i32
  }
  func.func @transform_1(%arg0: i32) -> (i32, i32) {
    %c0_i32 = arith.constant 0 : i32
    %c0_i32_0 = arith.constant 0 : i32
    %c0_i32_1 = arith.constant 0 : i32
    return %c0_i32, %c0_i32_0 : i32, i32
  }
  func.func @transform_2(%arg0: i32) -> (i32, i32) {
    %c0_i32 = arith.constant 0 : i32
    %c0_i32_0 = arith.constant 0 : i32
    %c0_i32_1 = arith.constant 0 : i32
    return %c0_i32, %c0_i32_0 : i32, i32
  }
  func.func @transform_3(%arg0: i32) -> (i32, i32) {
    %c0_i32 = arith.constant 0 : i32
    %c0_i32_0 = arith.constant 0 : i32
    return %arg0, %c0_i32 : i32, i32
  }
}

</mosaic_0001>

<sc_bundles>
// kernel: kernel.4.cloned.1.call-start
scs
__scs_entry_jumppad:
0x0: {  	(pc) =	sbr.rel $0x88, $3  }
0x1: {  	(tag) =	ssettag $0x0;
	lr =	simm.s32 $0x1  }
0x2: {  	[smem:$0x3F9B] =	sst lr;
	_ =	strace $0xD0000000  }
0x3: {  	_ = 	snop  }
0x4: {  	_ = 	snop  }
0x5: {  	_ = 	snop  }
0x6: {  	_ = 	snop  }
0x7: {  	_ = 	snop  }
__scs_overlays_trampoline_lowered:
0x8: {  	[smem:$0x3FAA] =	sst s0  }
0x9: {  	[smem:$0x3FAB] =	sst s1  }
0xa: {  	[smem:$0x3FAC] =	sst s2  }
0xb: {  	[smem:$0x3FAD] =	sst s3  }
0xc: {  	[smem:$0x3FAE] =	sst s4  }
0xd: {  	[smem:$0x3FAF] =	sst s5  }
0xe: {  	[smem:$0x3FB0] =	sst s6  }
0xf: {  	[smem:$0x3FB1] =	sst s7  }
0x10: {  	[smem:$0x3FB2] =	sst s8  }
0x11: {  	[smem:$0x3FB3] =	sst s9;
	s0 =	simm.s32 @!p0 $0x0  }
0x12: {  	s1 =	sld [smem:$0x3F99];
	s0 =	simm.s32 @p0 $0x1  }
0x13: {  	[smem:$0x3FB4] =	sst s0;
	s0 =	simm.s32 @!p1 $0x0  }
0x14: {  	s2 =	sld [smem:$0x3F98];
	s0 =	simm.s32 @p1 $0x1  }
0x15: {  	[smem:$0x3FB5] =	sst s0;
	s0 =	simm.s32 @!p2 $0x0  }
0x16: {  	s3 =	sld [smem:$0x3FDB];
	s0 =	simm.s32 @p2 $0x1  }
0x17: {  	s4 =	simm.s32 $0x1BF5;
	[smem:$0x3FB7] =	sst s0  }
0x18: {  	s0 =	sld [smem:$0x3F9A];
	_ =	swait.ge [sflag:s4], $0x0  }
0x19: {  	s7 =	sld [smem:$0x3F9B]  }
0x1a: {  	s8 =	sadd.s32 $0xFFFFE003, lr  }
0x1b: {  	s9 =	sadd.s32 $0xFFFFFEF7, lr;
	s5 =	simm.s32 $0xFFFFFFFF;
	p2 =	slt.u32 s8, $0xFFFFF086  }
0x1c: {  	p1 =	slt.u32 s9, $0xF7A;
	s5 =	simm.s32 @!p2 $0x0  }
0x1d: {  	s5 =	simm.s32 @p1 $0x1;
	p0 =	seq.s32 s7, s2  }
0x1e: {  	s7 =	smul.u32 @!p0 $0xF7A, s2;
	p2 =	seq.s32 @!p0 s5, $0x0  }
0x1f: {  	s9 =	smul.u32 $0xF7A, s1;
	s8 =	simm.s32 @!p0 $0x1BF5;
	p2 =	por !p2, p0  }
0x20: {  	[sflag:s8] =	ssyncset.s32 @!p0 $0xFFFFF086;
	s6 =	sadd.s32 @!p0 s3, s7;
	s7 =	simm.s32 @!p0 $0x108  }
0x21: {  	s3 =	sadd.s32 s3, s9;
	s6 =	sadd.s32 @!p0 $0x88, s6;
	s7 =	simm.s32 @p2 $0x1082  }
0x22: {  	[simem:s7], [sflag:s8] =	dma.local @!p0 [hbm:s6], $0xF7A  }
0x23: {  	s9 =	sor.u32 $0xD0000000, s2;
	s6 =	simm.s32 $0x108;
	_ =	swait.ge @!p0 [sflag:s8], $0x0  }
0x24: {  	s3 =	sadd.s32 $0x88, s3;
	s6 =	simm.s32 @!p1 $0x1082;
	[sflag:s4] =	ssyncset.s32 $0xFFFFF086  }
0x25: {  	[simem:s6], [sflag:s4] =	dma.local [hbm:s3], $0xF7A  }
0x26: {  	[smem:$0x3F9B] =	sst s1;
	(tag) =	ssettag s2;
	_ =	strace s9  }
0x27: {  	s1 =	sld [smem:$0x3FAB]  }
0x28: {  	s2 =	sld [smem:$0x3FAC]  }
0x29: {  	s4 =	sld [smem:$0x3FAE]  }
0x2a: {  	p0 =	seq.s32 s5, $0x0;
	s5 =	sld [smem:$0x3FAF]  }
0x2b: {  	s6 =	sld [smem:$0x3FB0]  }
0x2c: {  	s7 =	sld [smem:$0x3FB1]  }
0x2d: {  	s3 =	simm.s32 $0x108;
	s8 =	sld [smem:$0x3FB2]  }
0x2e: {  	s3 =	simm.s32 @!p0 $0x1082;
	s9 =	sld [smem:$0x3FB3]  }
0x2f: {  	lr =	sadd.s32 s0, s3;
	s0 =	sld [smem:$0x3FAA]  }
0x30: {  	s3 =	sld [smem:$0x3FAD]  }
0x31: {  	[smem:$0x3FB6] =	sst s10  }
0x32: {  	s10 =	sld [smem:$0x3FB4];
	_ =	sdelay $0x3  }
0x33: {  	p0 =	seq.s32 s10, $0x1;
	s10 =	sld [smem:$0x3FB6];
	_ =	sdelay $0x3  }
0x34: {  	[smem:$0x3FB6] =	sst s10  }
0x35: {  	s10 =	sld [smem:$0x3FB5];
	_ =	sdelay $0x3  }
0x36: {  	p1 =	seq.s32 s10, $0x1;
	s10 =	sld [smem:$0x3FB6];
	_ =	sdelay $0x3  }
0x37: {  	[smem:$0x3FB6] =	sst s10  }
0x38: {  	s10 =	sld [smem:$0x3FB7]  }
0x39: {  	_ = 	snop;
	(pc) =	sbr.ind lr, $3  }
0x3a: {  	_ = 	snop  }
0x3b: {  	_ = 	snop  }
0x3c: {  	p2 =	seq.s32 s10, $0x1;
	s10 =	sld [smem:$0x3FB6]  }
0x3d: {  	_ =	shalt  }
0x3e: {  	_ =	shalt  }
0x3f: {  	_ =	shalt  }
0x40: {  	_ =	shalt  }
0x41: {  	_ =	shalt  }
0x42: {  	_ =	shalt  }
0x43: {  	_ =	shalt  }
0x44: {  	_ =	shalt  }
0x45: {  	_ =	shalt  }
0x46: {  	_ =	shalt  }
0x47: {  	_ =	shalt  }
0x48: {  	_ =	shalt  }
0x49: {  	_ =	shalt  }
0x4a: {  	_ =	shalt  }
0x4b: {  	_ =	shalt  }
0x4c: {  	_ =	shalt  }
0x4d: {  	_ =	shalt  }
0x4e: {  	_ =	shalt  }
0x4f: {  	_ =	shalt  }
0x50: {  	_ =	shalt  }
0x51: {  	_ =	shalt  }
0x52: {  	_ =	shalt  }
0x53: {  	_ =	shalt  }
0x54: {  	_ =	shalt  }
0x55: {  	_ =	shalt  }
0x56: {  	_ =	shalt  }
0x57: {  	_ =	shalt  }
0x58: {  	_ =	shalt  }
0x59: {  	_ =	shalt  }
0x5a: {  	_ =	shalt  }
0x5b: {  	_ =	shalt  }
0x5c: {  	_ =	shalt  }
0x5d: {  	_ =	shalt  }
0x5e: {  	_ =	shalt  }
0x5f: {  	_ =	shalt  }
0x60: {  	_ =	shalt  }
0x61: {  	_ =	shalt  }
0x62: {  	_ =	shalt  }
0x63: {  	_ =	shalt  }
0x64: {  	_ =	shalt  }
0x65: {  	_ =	shalt  }
0x66: {  	_ =	shalt  }
0x67: {  	_ =	shalt  }
0x68: {  	_ =	shalt  }
0x69: {  	_ =	shalt  }
0x6a: {  	_ =	shalt  }
0x6b: {  	_ =	shalt  }
0x6c: {  	_ =	shalt  }
0x6d: {  	_ =	shalt  }
0x6e: {  	_ =	shalt  }
0x6f: {  	_ =	shalt  }
0x70: {  	_ =	shalt  }
0x71: {  	_ =	shalt  }
0x72: {  	_ =	shalt  }
0x73: {  	_ =	shalt  }
0x74: {  	_ =	shalt  }
0x75: {  	_ =	shalt  }
0x76: {  	_ =	shalt  }
0x77: {  	_ =	shalt  }
0x78: {  	_ =	shalt  }
0x79: {  	_ =	shalt  }
0x7a: {  	_ =	shalt  }
0x7b: {  	_ =	shalt  }
0x7c: {  	_ =	shalt  }
0x7d: {  	_ =	shalt  }
0x7e: {  	_ =	shalt  }
0x7f: {  	_ =	shalt  }
0x80: {  	_ =	shalt  }
0x81: {  	_ =	shalt  }
0x82: {  	_ =	shalt  }
0x83: {  	_ =	shalt  }
0x84: {  	_ =	shalt  }
0x85: {  	_ =	shalt  }
0x86: {  	_ =	shalt  }
0x87: {  	_ =	shalt  }
.Lfunc_end0:
.L_simem_size_0:
called_computation_lowered:
.L_overlay_start_0:
0x88: {  	s2 =	sld [smem:$0x3FD9]  }
0x89: {  	s3 =	sld [smem:$0x3FFE];
	_ =	sdelay $0x1  }
0x8a: {  	s1 =	srdreg.scid  }
0x8b: {  	s0 =	sand.u32 $0x1, s1  }
0x8c: {  	s16 =	sshll.u32 s0, $0xA;
	s2 =	sadd.s32 s3, s2  }
0x8d: {  	s2 =	sadd.s32 s2, s16  }
0x8e: {  	[smem:$0x3FC2] =	sst s2  }
0x8f: {  	_ = 	snop  }
0x90: {  	(tm) =	ssettm $0x1  }
0x91: {  	s17 =	sld [smem:$0x3FFB];
	_ =	sdelay $0x3  }
0x92: {  	_ =	strace s17  }
0x93: {  	s2 =	sld [smem:$0x3FFC];
	_ =	sdelay $0x3  }
0x94: {  	_ =	strace s2  }
0x95: {  	s2 =	sld [smem:$0x3FFD];
	_ =	sdelay $0x3  }
0x96: {  	_ =	strace s2  }
0x97: {  	_ =	strace $0x8FFFFFFF  }
0x98: {  	s18 =	sld [smem:$0x3FDB];
	_ =	sdelay $0x1  }
0x99: {  	s19 =	simm.s32 $_scs_section_size  }
0x9a: {  	s4 =	simm.s32 $_size__tile_overlayer_lowered;
	s5 =	simm.s32 $_tile_overlayer_lowered  }
0x9b: {  	s22 =	simm.s32 $0x1BFF;
	s21 =	sshll.u32 s5, $0x1;
	s2 =	sadd.s32 s19, s18  }
0x9c: {  	s6 =	simm.s32 $0x0;
	s20 =	sshll.u32 s4, $0x1;
	s4 =	sadd.s32 s21, s2  }
0x9d: {  	[timem:s6], [sflag:s22] =	dma.local [hbm:s4], s20  }
0x9e: {  	_ =	swait.ge [sflag:s22], s20  }
0x9f: {  	s3 =	ssub.s32 $0x0, s20;
	[sflag:s22] =	ssyncset.done $0x0  }
0xa0: {  	[sflag:s22] =	ssyncadd.s32 s3;
	_ =	sdelay $0x1  }
0xa1: {  	s23 =	simm.s32 $0x1B8B  }
0xa2: {  	_ =	swait.ge [sflag:s23], $0x1  }
0xa3: {  	[sflag:s23] =	ssyncset.done $0x0  }
0xa4: {  	s25 =	simm.s32 $0x1B8E;
	s24 =	sld [smem:$0x3FFE];
	[sflag:s23] =	ssyncadd.s32 $0xFFFFFFFF  }
0xa5: {  	s26 =	simm.s32 $execute0_lowered;
	[smem:$0x3FD2] =	sst s25  }
0xa6: {  	s4 =	sshll.u32 s26, $0x1;
	_ =	strace $0x80000046;
	[dreg:$0x1] =	wrdreg $0xFFFFFFFF  }
0xa7: {  	s28 =	simm.s32 $_size_execute0_lowered;
	s2 =	sadd.s32 s2, s4;
	[dreg:$0x0] =	wrdreg $0x0  }
0xa8: {  	s4 =	sshll.u32 s28, $0x1;
	[dreg:$0x2] =	wrdreg s2  }
0xa9: {  	[dreg:$0x3] =	wrdreg s4  }
0xaa: {  	[dreg:$0x4] =	wrdreg $0xC0  }
0xab: {  	_ =	task [dreg:s6], $0x5FFFF  }
0xac: {  	[dreg:$0x1] =	wrdreg $0xFFFFFFFF  }
0xad: {  	[dreg:$0x0] =	wrdreg $0x60  }
0xae: {  	[dreg:$0x2] =	wrdreg s24  }
0xaf: {  	[dreg:$0x3] =	wrdreg $0x9  }
0xb0: {  	_ =	task.clear_ibuf [dreg:s6], $0x4FFFF;
	_ =	strace $0x90000046  }
0xb1: {  	s29 =	simm.s32 $0x9;
	_ =	strace $0x80000048  }
0xb2: {  	_ =	swait.ge [sflag:s29], $0x1  }
0xb3: {  	[sflag:s29] =	ssyncadd.s32 $0xFFFFFFFF  }
0xb4: {  	_ =	strace $0x90000048  }
0xb5: {  	_ =	sfence  }
0xb6: {  	s30 =	sld [smem:$0x0];
	_ =	sdelay $0x2  }
0xb7: {  	s31 =	sshll.u32 s1, $0xD;
	s1 =	sshrl.u32 s1, $0x2  }
0xb8: {  	s3 =	sand.u32 $0x4000, s31;
	s1 =	sadd.s32 s1, s30  }
0xb9: {  	s0 =	sor.u32 s3, s0;
	s1 =	sshll.u32 s1, $0x11  }
0xba: {  	s0 =	sor.u32 s1, s0  }
0xbb: {  	s0 =	sadd.s32 $0x8F2B, s0  }
0xbc: {  	[sflag:s0] =	ssyncadd.remote.s32 $0x1  }
0xbd: {  	_ =	sfence.sel $0xFFFF  }
0xbe: {  	[dreg:$0x0] =	wrdreg $0xFFFFFFFF;
	(pc) =	sbr.abs _section_cstart, $3  }
0xbf: {  	[dreg:$0x1] =	wrdreg $0xFFFFFFFF  }
0xc0: {  	_ =	task.clear_ibuf [dreg:s6], $0x2FFFF;
	_ =	strace $0x9FFFFFFF  }
0xc1: {  	(tm) =	ssettm $0x7FFFFFFF  }
tec
execute0_lowered:
.L_overlay_start_1:
0x0: {  	(tag) =	ssettag $0x1  }
0x1: {  	s0 =	rddreg [dreg:$0x0]  }
0x2: {  	s2 =	simm.s32 $0x0;
	s3 =	srdreg.scid;
	s1 =	stileid.u32  }
0x3: {  	s8 =	simm.s32 $0x1;
	s9 =	simm.s32 $0x18080;
	s10 =	simm.s32 $0x18090  }
0x4: {  	s11 =	simm.s32 $0x180A0;
	s12 =	simm.s32 $0x180B0;
	s13 =	simm.s32 $0x180C0  }
0x5: {  	s14 =	simm.s32 $0x180D0;
	s15 =	simm.s32 $0x180E0;
	s16 =	simm.s32 $0x180F0  }
0x6: {  	s17 =	simm.s32 $0x18100;
	s18 =	simm.s32 $0x18110;
	s19 =	simm.s32 $0x18120  }
0x7: {  	s20 =	simm.s32 $0x18130;
	s21 =	simm.s32 $0x18140;
	s22 =	simm.s32 $0x18150  }
0x8: {  	s23 =	simm.s32 $0x18160;
	s24 =	simm.s32 $0x18170;
	s25 =	simm.s32 $0x8000  }
0x9: {  	s26 =	simm.s32 $0x10000;
	s28 =	simm.s32 $0x18000;
	s29 =	simm.s32 $0x18180  }
0xa: {  	[smem:$0x7FF] =	sst s2;
	s3 =	sand.u32 $0x1, s3;
	s4 =	sshll.u32 s1, $0x1  }
0xb: {  	s30 =	simm.s32 $0x0;
	_ =	strace $0x80000047;
	s4 =	sor.u32 s3, s4  }
0xc: {  	s3 =	ssub.s32 $0x2, s3;
	s5 =	sshll.u32 s4, $0xC;
	s4 =	sshll.u32 s4, $0x2  }
0xd: {  	s6 =	sshrl.u32 s3, $0x1;
	s5 =	sadd.s32 s5, s0;
	s0 =	sadd.s32 s4, s0  }
0xe: {  	v0 =	vimm.f32 $0.0e+00;
	v1 =	vlaneseq.u32;
	s7 =	ssub.s32 s3, s6;
	s3 =	sadd.s32 $0x200, s5;
	s4 =	sadd.s32 $0x20200, s5  }
0xf: {  	v3 =	vimm.s32 $0x0;
	v4 =	vimm.f32 $1.000000000e+00;
	v2 =	vmul.u32 $0x80, v1;
	s5 =	sadd.s32 $0x40200, s5;
	s6 =	sadd.s32 $0x60200, s0;
	s7 =	smax.u32 s7, $0x1  }
.LBB2_1:
0x10: {  	[tilespmem:s2], [sflag:$0x1] =	stream.linear.gather [hbm4b:s3+s2], $0x8000, $0x38;
	[tilespmem:$0x18200] =	vst v63  }
0x11: {  	_ =	swait.ge [sflag:s8], $0x8000  }
0x12: {  	[sflag:s8] =	ssyncset.done $0x0  }
0x13: {  	[sflag:s8] =	ssyncadd.s32 $0xFFFF8000  }
0x14: {  	[tilespmem:$0x18000] =	vst v0  }
0x15: {  	[tilespmem:$0x18080] =	vst v0  }
0x16: {  	[tilespmem:$0x18090] =	vst v0  }
0x17: {  	[tilespmem:$0x180A0] =	vst v0  }
0x18: {  	[tilespmem:$0x180B0] =	vst v0  }
0x19: {  	[tilespmem:$0x180C0] =	vst v0  }
0x1a: {  	[tilespmem:$0x180D0] =	vst v0  }
0x1b: {  	[tilespmem:$0x180E0] =	vst v0  }
0x1c: {  	[tilespmem:$0x180F0] =	vst v0  }
0x1d: {  	[tilespmem:$0x18100] =	vst v0  }
0x1e: {  	v5 =	vmov s2;
	[tilespmem:$0x18110] =	vst v0  }
0x1f: {  	v5 =	vshll.u32 v5, $0x7;
	[tilespmem:$0x18120] =	vst v0  }
0x20: {  	v5 =	vor.u32 v2, v5;
	[tilespmem:$0x18130] =	vst v0  }
0x21: {  	v6 =	vor.u32 $0x1, v5;
	[tilespmem:$0x18140] =	vst v0  }
0x22: {  	[tilespmem:$0x18150] =	vst v0  }
0x23: {  	[tilespmem:$0x18160] =	vst v0  }
0x24: {  	[tilespmem:$0x18170] =	vst v0  }
0x25: {  	v7 =	vor.u32 $0x2, v5;
	v10 =	vld.idx.msk [tilespmem:v5+s2+$0x0], $0xffff  }
0x26: {  	v8 =	vld.idx.msk [tilespmem:v6+s2+$0x0], $0xffff  }
0x27: {  	v9 =	vor.u32 $0x3, v5;
	_ =	sdelay $0x1  }
0x28: {  	v11 =	vor.u32 $0x4, v5  }
0x29: {  	v7 =	vld.idx.msk [tilespmem:v7+s2+$0x0], $0xffff  }
0x2a: {  	v13 =	vimm.s32 $0x0;
	v12 =	vor.u32 $0x5, v5;
	vm0 =	vgt.f32 v8, v10  }
0x2b: {  	v9 =	vld.idx.msk [tilespmem:v9+s2+$0x0], $0xffff;
	v13 =	vsel vm0, $0xFFFFFFFF, v13  }
0x2c: {  	v15 =	vimm.s32 $0x0;
	vm1 =	vmneg vm0;
	[tilespmem:$0x1FF10] =	vst v13;
	v13 =	vor.u32 $0x6, v5  }
0x2d: {  	v11 =	vld.idx.msk [tilespmem:v11+s2+$0x0], $0xffff;
	v14 =	vsel vm1, v10, v8;
	v15 =	vsel vm1, $0xFFFFFFFF, v15  }
0x2e: {  	[tilespmem:$0x1FF00] =	vst v15;
	v15 =	vor.u32 $0x7, v5;
	vm5 =	vgt.f32 v7, v14  }
0x2f: {  	v12 =	vld.idx.msk [tilespmem:v12+s2+$0x0], $0xffff;
	v16 =	vsel vm5, v7, v14  }
0x30: {  	v22 =	vimm.s32 $0x0;
	v17 =	vor.u32 $0x8, v5;
	vm2 =	vgt.f32 v9, v16  }
0x31: {  	vm3 =	vgt.f32 v8, $-Inf;
	vm0 =	vlt.f32 v8, $-Inf;
	v18 =	vsel vm2, v9, v16;
	v13 =	vld.idx.msk [tilespmem:v13+s2+$0x0], $0xffff  }
0x32: {  	v19 =	vor.u32 $0x9, v5;
	vm0 =	vmor vm3, vm0;
	vm8 =	vgt.f32 v11, v18  }
0x33: {  	v22 =	vsel vm0, $0xFFFFFFFF, v22;
	v15 =	vld.idx.msk [tilespmem:v15+s2+$0x0], $0xffff;
	v20 =	vsel vm8, v11, v18  }
0x34: {  	v21 =	vor.u32 $0xA, v5;
	[tilespmem:$0x1FEF0] =	vst v22;
	v22 =	vnsel vm0, $0xFF800000, v8;
	vm4 =	vgt.f32 v12, v20  }
0x35: {  	v25 =	vimm.s32 $0x0;
	v17 =	vld.idx.msk [tilespmem:v17+s2+$0x0], $0xffff;
	v22 =	vsel vm1, v22, v10;
	v23 =	vsel vm4, v12, v20  }
0x36: {  	v24 =	vor.u32 $0xB, v5;
	vm0 =	vgt.f32 v7, v22;
	vm6 =	vgt.f32 v13, v23  }
0x37: {  	v28 =	vimm.s32 $0x0;
	v19 =	vld.idx.msk [tilespmem:v19+s2+$0x0], $0xffff;
	v22 =	vsel vm0, v7, v22;
	v46 =	vsel vm6, v13, v23  }
0x38: {  	v26 =	vor.u32 $0xC, v5;
	v14 =	vsel vm5, v14, v22;
	vm7 =	vgt.f32 v15, v46  }
0x39: {  	v21 =	vld.idx.msk [tilespmem:v21+s2+$0x0], $0xffff;
	v25 =	vsel vm0, $0xFFFFFFFF, v25;
	vm0 =	vgt.f32 v9, v14;
	v22 =	vsel vm7, v15, v46  }
0x3a: {  	v27 =	vor.u32 $0xD, v5;
	v14 =	vsel vm0, v9, v14;
	vm9 =	vgt.f32 v17, v22  }
0x3b: {  	v29 =	vor.u32 $0xE, v5;
	v24 =	vld.idx.msk [tilespmem:v24+s2+$0x0], $0xffff;
	v14 =	vsel vm2, v16, v14;
	v47 =	vsel vm9, v17, v22  }
0x3c: {  	v28 =	vsel vm0, $0xFFFFFFFF, v28;
	vm0 =	vgt.f32 v11, v14;
	vm11 =	vgt.f32 v19, v47  }
0x3d: {  	v48 =	vimm.s32 $0x0;
	v16 =	vld.idx.msk [tilespmem:v26+s2+$0x0], $0xffff;
	v14 =	vsel vm0, v11, v14;
	v49 =	vsel vm11, v19, v47  }
0x3e: {  	v30 =	vor.u32 $0xF, v5;
	v14 =	vsel vm8, v18, v14;
	vm12 =	vgt.f32 v21, v49  }
0x3f: {  	v27 =	vld.idx.msk [tilespmem:v27+s2+$0x0], $0xffff;
	v26 =	vsel vm0, $0xFFFFFFFF, v48;
	vm0 =	vgt.f32 v12, v14;
	v18 =	vsel vm12, v21, v49  }
0x40: {  	v14 =	vsel vm0, v12, v14;
	vm13 =	vgt.f32 v24, v18  }
0x41: {  	v31 =	vimm.s32 $0x0;
	v29 =	vld.idx.msk [tilespmem:v29+s2+$0x0], $0xffff;
	v14 =	vsel vm4, v20, v14;
	v50 =	vsel vm13, v24, v18  }
0x42: {  	v31 =	vsel vm0, $0xFFFFFFFF, v31;
	vm0 =	vgt.f32 v13, v14;
	vm14 =	vgt.f32 v16, v50  }
0x43: {  	v20 =	vld.idx.msk [tilespmem:v30+s2+$0x0], $0xffff;
	v14 =	vsel vm0, v13, v14;
	v51 =	vsel vm14, v16, v50  }
0x44: {  	v32 =	vimm.s32 $0x0;
	v14 =	vsel vm6, v23, v14;
	vm15 =	vgt.f32 v27, v51  }
0x45: {  	v32 =	vsel vm0, $0xFFFFFFFF, v32;
	vm0 =	vgt.f32 v15, v14;
	v23 =	vsel vm15, v27, v51  }
0x46: {  	v14 =	vsel vm0, v15, v14;
	vm10 =	vgt.f32 v29, v23  }
0x47: {  	v52 =	vimm.s32 $0x0;
	v14 =	vsel vm7, v46, v14;
	v53 =	vsel vm10, v29, v23  }
0x48: {  	[tilespmem:$0x1FF60] =	vst v32;
	v32 =	vsel vm0, $0xFFFFFFFF, v52;
	vm1 =	vgt.f32 v17, v14;
	vm0 =	vgt.f32 v20, v53  }
0x49: {  	v14 =	vsel vm1, v17, v14;
	v54 =	vsel vm0, v20, v53  }
0x4a: {  	v33 =	vimm.s32 $0x0;
	v14 =	vsel vm9, v22, v14;
	v10 =	vsub.f32 v10, v54  }
0x4b: {  	v33 =	vsel vm1, $0xFFFFFFFF, v33;
	vm1 =	vgt.f32 v19, v14;
	v8 =	vsub.f32 v8, v54  }
0x4c: {  	v22 =	vimm.s32 $0x0;
	v14 =	vsel vm1, v19, v14;
	v10 =	vmul.f32 $1.442695020e+00, v10  }
0x4d: {  	v22 =	vsel vm1, $0xFFFFFFFF, v22;
	v14 =	vsel vm11, v47, v14;
	v8 =	vmul.f32 $1.442695020e+00, v8  }
0x4e: {  	vm1 =	vgt.f32 v21, v14;
	v7 =	vsub.f32 v7, v54;
	(erf) = vpow2.f32 v10  }
0x4f: {  	v9 =	vsub.f32 v9, v54;
	(erf) = vpow2.f32 v8;
	v8 =	vimm.s32 $0x0  }
0x50: {  	v7 =	vmul.f32 $1.442695020e+00, v7;
	v8 =	vsel vm1, $0xFFFFFFFF, v8  }
0x51: {  	v9 =	vmul.f32 $1.442695020e+00, v9;
	[tilespmem:$0x1FFA0] =	vst v8;
	v8 =	vsel vm1, v21, v14  }
0x52: {  	(erf) = vpow2.f32 v7;
	v7 =	vsub.f32 v11, v54;
	v8 =	vsel vm12, v49, v8  }
0x53: {  	(erf) = vpow2.f32 v9;
	v9 =	vimm.s32 $0x0;
	vm1 =	vgt.f32 v24, v8  }
0x54: {  	v7 =	vmul.f32 $1.442695020e+00, v7;
	v9 =	vsel vm1, $0xFFFFFFFF, v9;
	v8 =	vsel vm1, v24, v8  }
0x55: {  	v10 =	vsub.f32 v13, v54;
	[tilespmem:$0x1FFB0] =	vst v9;
	v9 =	vsub.f32 v12, v54;
	v8 =	vsel vm13, v18, v8  }
0x56: {  	(erf) = vpow2.f32 v7;
	v7 =	vimm.s32 $0x0;
	vm1 =	vgt.f32 v16, v8  }
0x57: {  	v9 =	vmul.f32 $1.442695020e+00, v9;
	v7 =	vsel vm1, $0xFFFFFFFF, v7;
	v8 =	vsel vm1, v16, v8  }
0x58: {  	v13 =	vimm.s32 $0x0;
	[tilespmem:$0x1FFC0] =	vst v7;
	v7 =	vsub.f32 v15, v54;
	v8 =	vsel vm14, v50, v8  }
0x59: {  	v10 =	vmul.f32 $1.442695020e+00, v10;
	v11 =	vpop (erf);
	(erf) = vpow2.f32 v9;
	vm1 =	vgt.f32 v27, v8  }
0x5a: {  	v12 =	vpop (erf);
	v9 =	vsub.f32 v17, v54;
	v7 =	vmul.f32 $1.442695020e+00, v7;
	v13 =	vsel vm1, $0xFFFFFFFF, v13  }
0x5b: {  	(erf) = vpow2.f32 v10;
	v10 =	vadd.f32 v12, v11;
	v8 =	vsel vm1, v27, v8  }
0x5c: {  	[tilespmem:$0x1FFD0] =	vst v13;
	v13 =	vsub.f32 v19, v54;
	v9 =	vmul.f32 $1.442695020e+00, v9;
	v8 =	vsel vm15, v51, v8  }
0x5d: {  	v14 =	vpop (erf);
	(erf) = vpow2.f32 v7;
	vm1 =	vgt.f32 v29, v8;
	v7 =	vimm.s32 $0x0  }
0x5e: {  	v15 =	vsub.f32 v24, v54;
	v7 =	vsel vm1, $0xFFFFFFFF, v7  }
0x5f: {  	v10 =	vadd.f32 v10, v14;
	v8 =	vsel vm1, v29, v8;
	[tilespmem:$0x1FFE0] =	vst v7;
	v7 =	vmul.f32 $1.442695020e+00, v13  }
0x60: {  	(erf) = vpow2.f32 v9;
	v13 =	vsub.f32 v21, v54;
	v8 =	vsel vm10, v23, v8  }
0x61: {  	v9 =	vpop (erf);
	vm1 =	vgt.f32 v20, v8;
	(erf) = vpow2.f32 v7;
	v7 =	vimm.s32 $0x0  }
0x62: {  	v19 =	vsub.f32 v20, v54;
	v10 =	vadd.f32 v10, v9;
	v7 =	vsel vm1, $0xFFFFFFFF, v7  }
0x63: {  	v17 =	vpop (erf);
	v8 =	vsel vm1, v20, v8;
	v20 =	vld [tilespmem:$0x1FEF0];
	[tilespmem:$0x1FFF0] =	vst v7;
	v7 =	vmul.f32 $1.442695020e+00, v13;
	v13 =	vsub.f32 v16, v54  }
0x64: {  	v15 =	vmul.f32 $1.442695020e+00, v15;
	v8 =	vsel vm0, v53, v8;
	v10 =	vadd.f32 v10, v17  }
0x65: {  	v16 =	vpop (erf);
	v8 =	vsub.f32 v8, v54;
	(erf) = vpow2.f32 v7;
	v7 =	vmul.f32 $1.442695020e+00, v13  }
0x66: {  	v10 =	vadd.f32 v10, v16  }
0x67: {  	v8 =	vmul.f32 $1.442695020e+00, v8;
	v13 =	vpop (erf);
	(erf) = vpow2.f32 v15;
	v15 =	vsub.f32 v27, v54  }
0x68: {  	vm1 =	vnez.u8 v20;
	v20 =	vld [tilespmem:$0x1FF00];
	v10 =	vadd.f32 v10, v13  }
0x69: {  	v18 =	vsub.f32 v29, v54;
	(erf) = vpow2.f32 v7;
	v7 =	vpop (erf);
	v15 =	vmul.f32 $1.442695020e+00, v15  }
0x6a: {  	[tilespmem:$0x1FF20] =	vst v25;
	v21 =	vld [tilespmem:$0x1FF10];
	v10 =	vadd.f32 v10, v7  }
0x6b: {  	[tilespmem:$0x1FF90] =	vst v22;
	v22 =	vld [tilespmem:$0x1FF20];
	v18 =	vmul.f32 $1.442695020e+00, v18;
	(erf) = vpow2.f32 v8;
	v8 =	vpop (erf)  }
0x6c: {  	[tilespmem:$0x1FF30] =	vst v28;
	(erf) = vpow2.f32 v15;
	v10 =	vadd.f32 v10, v8  }
0x6d: {  	v19 =	vmul.f32 $1.442695020e+00, v19;
	v23 =	vld [tilespmem:$0x1FF30];
	vm3 =	vnez.u8 v20;
	v15 =	vpop (erf)  }
0x6e: {  	[tilespmem:$0x1FF40] =	vst v26;
	vm1 =	vmand vm3, vm1;
	(erf) = vpow2.f32 v18;
	v10 =	vadd.f32 v10, v15  }
0x6f: {  	v56 =	vld [tilespmem:$0x1FF40];
	v18 =	vpop (erf);
	(erf) = vpow2.f32 v19;
	v19 =	vsel vm1, $0x1, v3;
	vm1 =	vnez.u8 v21  }
0x70: {  	[tilespmem:$0x1FF50] =	vst v31;
	v21 =	vsel vm1, $0x1, v3;
	vm1 =	vnez.u8 v22;
	v10 =	vadd.f32 v10, v18  }
0x71: {  	v58 =	vld [tilespmem:$0x1FF50];
	v20 =	vpop (erf);
	v19 =	vsel vm1, $0x2, v19  }
0x72: {  	vm1 =	vnez.u8 v23;
	v19 =	vsel vm5, v21, v19;
	v10 =	vadd.f32 v10, v20  }
0x73: {  	v60 =	vld [tilespmem:$0x1FF60];
	v22 =	vpop (erf);
	v21 =	vsel vm5, $0x2, v21;
	v19 =	vsel vm1, $0x3, v19  }
0x74: {  	[tilespmem:$0x1FF70] =	vst v32;
	v23 =	vpop (erf);
	vm1 =	vnez.u8 v56;
	v19 =	vsel vm2, v21, v19;
	v10 =	vadd.f32 v10, v22  }
0x75: {  	v61 =	vld [tilespmem:$0x1FF70];
	v21 =	vsel vm2, $0x3, v21;
	v55 =	vpop (erf);
	v19 =	vsel vm1, $0x4, v19  }
0x76: {  	vm1 =	vnez.u8 v58;
	v19 =	vsel vm8, v21, v19;
	v10 =	vadd.f32 v10, v55  }
0x77: {  	v21 =	vsel vm8, $0x4, v21;
	v57 =	vpop (erf);
	v19 =	vsel vm1, $0x5, v19  }
0x78: {  	vm1 =	vnez.u8 v60;
	v19 =	vsel vm4, v21, v19;
	v10 =	vadd.f32 v10, v57  }
0x79: {  	v59 =	vpop (erf);
	v21 =	vsel vm4, $0x5, v21;
	v19 =	vsel vm1, $0x6, v19  }
0x7a: {  	vm1 =	vnez.u8 v61;
	v19 =	vsel vm6, v21, v19;
	v10 =	vadd.f32 v10, v59  }
0x7b: {  	[tilespmem:$0x1FF80] =	vst v33;
	v21 =	vsel vm6, $0x6, v21;
	v19 =	vsel vm1, $0x7, v19  }
0x7c: {  	(erf) = vrcp.f32 v10;
	v10 =	vsel vm7, v21, v19;
	v19 =	vsel vm7, $0x7, v21;
	v21 =	vld [tilespmem:$0x1FF80];
	_ =	sdelay $0x4  }
0x7d: {  	vm1 =	vnez.u8 v21;
	v21 =	vld [tilespmem:$0x1FF90];
	_ =	sdelay $0x4  }
0x7e: {  	v10 =	vsel vm1, $0x8, v10;
	vm1 =	vnez.u8 v21;
	v21 =	vld [tilespmem:$0x1FFA0];
	_ =	sdelay $0x3  }
0x7f: {  	v10 =	vsel vm9, v19, v10  }
0x80: {  	v10 =	vsel vm1, $0x9, v10;
	vm1 =	vnez.u8 v21;
	v21 =	vld [tilespmem:$0x1FFB0];
	_ =	sdelay $0x1  }
0x81: {  	v62 =	vld [tilespmem:$0x1FFC0];
	v19 =	vsel vm9, $0x8, v19  }
0x82: {  	v10 =	vsel vm11, v19, v10  }
0x83: {  	v63 =	vld [tilespmem:$0x1FFD0];
	v19 =	vsel vm11, $0x9, v19;
	v10 =	vsel vm1, $0xA, v10  }
0x84: {  	v10 =	vsel vm12, v19, v10;
	vm1 =	vnez.u8 v21  }
0x85: {  	v19 =	vsel vm12, $0xA, v19;
	v10 =	vsel vm1, $0xB, v10  }
0x86: {  	v21 =	vpop (erf);
	vm1 =	vnez.u8 v62;
	v10 =	vsel vm13, v19, v10  }
0x87: {  	v11 =	vmul.f32 v21, v11;
	v19 =	vsel vm13, $0xB, v19;
	v10 =	vsel vm1, $0xC, v10  }
0x88: {  	vm1 =	vnez.u8 v63;
	v10 =	vsel vm14, v19, v10  }
0x89: {  	[tilespmem:s9+$0x0] =	vst.add.f32.msk $0xffff, v11;
	v19 =	vsel vm14, $0xC, v19;
	v10 =	vsel vm1, $0xD, v10  }
0x8a: {  	v11 =	vsel vm15, $0xD, v19;
	v10 =	vsel vm15, v19, v10;
	v19 =	vmul.f32 v21, v9;
	v9 =	vld [tilespmem:$0x1FFE0]  }
0x8b: {  	v12 =	vmul.f32 v21, v12  }
0x8c: {  	v14 =	vmul.f32 v21, v14  }
0x8d: {  	v23 =	vadd.f32 $1.000000000e+00, v23;
	[tilespmem:s10+$0x0] =	vst.add.f32.msk $0xffff, v12  }
0x8e: {  	[tilespmem:s11+$0x0] =	vst.add.f32.msk $0xffff, v14;
	v14 =	vmul.f32 v21, v17  }
0x8f: {  	(erf) = vrcp.f32 v23;
	v16 =	vmul.f32 v21, v16;
	[tilespmem:s12+$0x0] =	vst.add.f32.msk $0xffff, v19;
	vm1 =	vnez.u8 v9  }
0x90: {  	v7 =	vmul.f32 v21, v7;
	v20 =	vmul.f32 v21, v20;
	[tilespmem:s13+$0x0] =	vst.add.f32.msk $0xffff, v14;
	v10 =	vsel vm1, $0xE, v10  }
0x91: {  	s0 =	simm.s32 $0x10;
	v9 =	vsel vm10, $0xE, v11;
	v10 =	vsel vm10, v11, v10;
	v11 =	vmul.f32 v21, v13;
	v13 =	vld [tilespmem:$0x1FFF0]  }
0x92: {  	v12 =	vmul.f32 v21, v55;
	v17 =	vmul.f32 v21, v22;
	[tilespmem:s14+$0x0] =	vst.add.f32.msk $0xffff, v16;
	v16 =	vmov s0  }
0x93: {  	v22 =	vmul.f32 v21, v18;
	[tilespmem:s15+$0x0] =	vst.add.f32.msk $0xffff, v11;
	v11 =	vmul.f32 v21, v8;
	v8 =	vshll.u32 v16, $0x7  }
0x94: {  	v14 =	vmul.f32 v21, v57;
	v16 =	vmul.f32 v21, v15;
	[tilespmem:s16+$0x0] =	vst.add.f32.msk $0xffff, v7;
	v8 =	vor.u32 v2, v8  }
0x95: {  	[tilespmem:s17+$0x0] =	vst.add.f32.msk $0xffff, v11;
	v7 =	vor.u32 $0x1, v8;
	v15 =	vor.u32 $0x2, v8;
	v19 =	vor.u32 $0x3, v8  }
0x96: {  	v11 =	vor.u32 $0x5, v8;
	v18 =	vor.u32 $0x6, v8;
	vm1 =	vnez.u8 v13;
	[tilespmem:s18+$0x0] =	vst.add.f32.msk $0xffff, v16  }
0x97: {  	s31 =	simm.s32 $0x20;
	v13 =	vmul.f32 v21, v59;
	v16 =	vor.u32 $0x4, v8;
	v10 =	vsel vm1, $0xF, v10;
	[tilespmem:s19+$0x0] =	vst.add.f32.msk $0xffff, v22  }
.LBB2_2:
0x98: {  	p0 =	sne.s32 s31, $0xF0;
	v21 =	vor.u32 $0x7, v8;
	v22 =	vor.u32 $0x8, v8;
	v23 =	vor.u32 $0x9, v8;
	[tilespmem:s20+$0x0] =	vst.add.f32.msk $0xffff, v20;
	s0 =	smov.u32 s31;
	s31 =	sadd.s32 $0x10, s31  }
0x99: {  	v20 =	vor.u32 $0xA, v8;
	v24 =	vor.u32 $0xB, v8;
	v25 =	vor.u32 $0xC, v8;
	[tilespmem:s21+$0x0] =	vst.add.f32.msk $0xffff, v17  }
0x9a: {  	v26 =	vor.u32 $0xD, v8;
	v27 =	vor.u32 $0xE, v8;
	v28 =	vor.u32 $0xF, v8;
	[tilespmem:s22+$0x0] =	vst.add.f32.msk $0xffff, v12;
	v12 =	vpop (erf)  }
0x9b: {  	[tilespmem:s23+$0x0] =	vst.add.f32.msk $0xffff, v14  }
0x9c: {  	v14 =	vsel vm0, $0xF, v9;
	[tilespmem:s24+$0x0] =	vst.add.f32.msk $0xffff, v13;
	v13 =	vsub.f32 $1.000000000e+00, v12  }
0x9d: {  	v9 =	vsel vm0, v9, v10;
	[tilespmem:v5+s25+$0x0] =	vst.idx.msk $0xffff, v12  }
0x9e: {  	[tilespmem:v6+s25+$0x0] =	vst.idx.msk $0xffff, v13  }
0x9f: {  	[tilespmem:v5+s26+$0x0] =	vst.idx.msk $0xffff, v14;
	v5 =	vmov v8  }
0xa0: {  	[tilespmem:v6+s26+$0x0] =	vst.idx.msk $0xffff, v9;
	v6 =	vmov v7  }
0xa1: {  	[tilespmem:v14+s28+$0x0] =	vst.idx.add.f32.msk $0xffff, v4  }
0xa2: {  	[tilespmem:v9+s28+$0x0] =	vst.idx.add.f32.msk $0xffff, v4  }
0xa3: {  	v14 =	vld.idx.msk [tilespmem:v7+s2+$0x0], $0xffff  }
0xa4: {  	v17 =	vld.idx.msk [tilespmem:v8+s2+$0x0], $0xffff  }
0xa5: {  	v13 =	vld.idx.msk [tilespmem:v19+s2+$0x0], $0xffff  }
0xa6: {  	v8 =	vld.idx.msk [tilespmem:v18+s2+$0x0], $0xffff  }
0xa7: {  	v18 =	vld.idx.msk [tilespmem:v15+s2+$0x0], $0xffff  }
0xa8: {  	v9 =	vld.idx.msk [tilespmem:v21+s2+$0x0], $0xffff  }
0xa9: {  	vm0 =	vlt.f32 v14, $-Inf;
	vm1 =	vgt.f32 v14, $-Inf;
	v21 =	vld.idx.msk [tilespmem:v16+s2+$0x0], $0xffff  }
0xaa: {  	vm2 =	vgt.f32 v14, v17;
	vm0 =	vmor vm1, vm0;
	v10 =	vld.idx.msk [tilespmem:v22+s2+$0x0], $0xffff  }
0xab: {  	vm1 =	vmneg vm2;
	v7 =	vnsel vm0, $0xFF800000, v14;
	v12 =	vsel vm2, $0x1, v3  }
0xac: {  	v7 =	vsel vm1, v7, v17;
	vm0 =	vmand vm1, vm0;
	v16 =	vsel vm1, v17, v14;
	v15 =	vld.idx.msk [tilespmem:v23+s2+$0x0], $0xffff  }
0xad: {  	vm1 =	vgt.f32 v18, v7;
	v22 =	vld.idx.msk [tilespmem:v11+s2+$0x0], $0xffff;
	v11 =	vsel vm0, $0x1, v3;
	vm0 =	vgt.f32 v18, v16  }
0xae: {  	v7 =	vsel vm1, v18, v7;
	v19 =	vld.idx.msk [tilespmem:v20+s2+$0x0], $0xffff;
	v11 =	vsel vm1, $0x2, v11;
	v23 =	vsel vm0, v18, v16  }
0xaf: {  	v7 =	vsel vm0, v16, v7;
	v11 =	vsel vm0, v12, v11;
	vm1 =	vgt.f32 v13, v23  }
0xb0: {  	v12 =	vsel vm0, $0x2, v12;
	vm0 =	vgt.f32 v13, v7;
	v20 =	vld.idx.msk [tilespmem:v24+s2+$0x0], $0xffff;
	v24 =	vsel vm1, v13, v23  }
0xb1: {  	v7 =	vsel vm0, v13, v7;
	v11 =	vsel vm0, $0x3, v11;
	vm0 =	vgt.f32 v21, v24  }
0xb2: {  	v7 =	vsel vm1, v23, v7;
	v11 =	vsel vm1, v12, v11;
	v16 =	vld.idx.msk [tilespmem:v25+s2+$0x0], $0xffff;
	v23 =	vsel vm0, v21, v24  }
0xb3: {  	v25 =	vsel vm1, $0x3, v12;
	vm1 =	vgt.f32 v21, v7;
	vm2 =	vgt.f32 v22, v23  }
0xb4: {  	v7 =	vsel vm1, v21, v7;
	v12 =	vld.idx.msk [tilespmem:v26+s2+$0x0], $0xffff;
	v26 =	vsel vm1, $0x4, v11;
	v29 =	vsel vm2, v22, v23  }
0xb5: {  	v7 =	vsel vm0, v24, v7;
	v24 =	vsel vm0, $0x4, v25;
	vm3 =	vgt.f32 v8, v29  }
0xb6: {  	v25 =	vsel vm0, v25, v26;
	vm0 =	vgt.f32 v22, v7;
	v11 =	vld.idx.msk [tilespmem:v27+s2+$0x0], $0xffff;
	v26 =	vsel vm3, v8, v29  }
0xb7: {  	v27 =	vsel vm0, v22, v7;
	v25 =	vsel vm0, $0x5, v25;
	vm4 =	vgt.f32 v9, v26  }
0xb8: {  	v23 =	vsel vm2, v23, v27;
	v25 =	vsel vm2, v24, v25;
	v7 =	vld.idx.msk [tilespmem:v28+s2+$0x0], $0xffff;
	v27 =	vsel vm4, v9, v26  }
0xb9: {  	v24 =	vsel vm2, $0x5, v24;
	vm0 =	vgt.f32 v8, v23;
	vm1 =	vgt.f32 v10, v27  }
0xba: {  	v23 =	vsel vm0, v8, v23;
	v25 =	vsel vm0, $0x6, v25;
	v28 =	vsel vm1, v10, v27  }
0xbb: {  	v23 =	vsel vm3, v29, v23;
	v25 =	vsel vm3, v24, v25;
	vm0 =	vgt.f32 v15, v28  }
0xbc: {  	v24 =	vsel vm3, $0x6, v24;
	vm2 =	vgt.f32 v9, v23;
	v29 =	vsel vm0, v15, v28  }
0xbd: {  	v23 =	vsel vm2, v9, v23;
	v25 =	vsel vm2, $0x7, v25;
	vm5 =	vgt.f32 v19, v29  }
0xbe: {  	v23 =	vsel vm4, v26, v23;
	v25 =	vsel vm4, v24, v25;
	v26 =	vsel vm5, v19, v29  }
0xbf: {  	v24 =	vsel vm4, $0x7, v24;
	vm2 =	vgt.f32 v10, v23;
	vm4 =	vgt.f32 v20, v26  }
0xc0: {  	v23 =	vsel vm2, v10, v23;
	v25 =	vsel vm2, $0x8, v25;
	v30 =	vsel vm4, v20, v26  }
0xc1: {  	v23 =	vsel vm1, v27, v23;
	v25 =	vsel vm1, v24, v25;
	vm3 =	vgt.f32 v16, v30  }
0xc2: {  	v24 =	vsel vm1, $0x8, v24;
	vm1 =	vgt.f32 v15, v23;
	v27 =	vsel vm3, v16, v30  }
0xc3: {  	v23 =	vsel vm1, v15, v23;
	v25 =	vsel vm1, $0x9, v25;
	vm2 =	vgt.f32 v12, v27  }
0xc4: {  	v23 =	vsel vm0, v28, v23;
	v25 =	vsel vm0, v24, v25;
	v28 =	vsel vm2, v12, v27  }
0xc5: {  	v24 =	vsel vm0, $0x9, v24;
	vm0 =	vgt.f32 v19, v23;
	vm1 =	vgt.f32 v11, v28  }
0xc6: {  	v23 =	vsel vm0, v19, v23;
	v25 =	vsel vm0, $0xA, v25;
	v31 =	vsel vm1, v11, v28  }
0xc7: {  	v23 =	vsel vm5, v29, v23;
	v25 =	vsel vm5, v24, v25;
	vm0 =	vgt.f32 v7, v31  }
0xc8: {  	v24 =	vsel vm5, $0xA, v24;
	vm5 =	vgt.f32 v20, v23;
	v29 =	vsel vm0, v7, v31  }
0xc9: {  	v23 =	vsel vm5, v20, v23;
	v17 =	vsub.f32 v17, v29;
	v21 =	vsub.f32 v21, v29  }
0xca: {  	v23 =	vsel vm4, v26, v23;
	v14 =	vsub.f32 v14, v29;
	v18 =	vsub.f32 v18, v29  }
0xcb: {  	v25 =	vsel vm5, $0xB, v25;
	v13 =	vsub.f32 v13, v29;
	v17 =	vmul.f32 $1.442695020e+00, v17  }
0xcc: {  	v22 =	vsub.f32 v22, v29;
	v14 =	vmul.f32 $1.442695020e+00, v14;
	v18 =	vmul.f32 $1.442695020e+00, v18  }
0xcd: {  	v8 =	vsub.f32 v8, v29;
	v13 =	vmul.f32 $1.442695020e+00, v13;
	(erf) = vpow2.f32 v17  }
0xce: {  	v9 =	vsub.f32 v9, v29;
	v17 =	vmul.f32 $1.442695020e+00, v22;
	(erf) = vpow2.f32 v14  }
0xcf: {  	v10 =	vsub.f32 v10, v29;
	v8 =	vmul.f32 $1.442695020e+00, v8;
	v14 =	vmul.f32 $1.442695020e+00, v21  }
0xd0: {  	v15 =	vsub.f32 v15, v29;
	v19 =	vsub.f32 v19, v29;
	(erf) = vpow2.f32 v18  }
0xd1: {  	v9 =	vmul.f32 $1.442695020e+00, v9;
	v10 =	vmul.f32 $1.442695020e+00, v10;
	v18 =	vsub.f32 v20, v29  }
0xd2: {  	v15 =	vmul.f32 $1.442695020e+00, v15;
	v20 =	vsub.f32 v16, v29;
	(erf) = vpow2.f32 v13  }
0xd3: {  	v13 =	vmul.f32 $1.442695020e+00, v19;
	v18 =	vmul.f32 $1.442695020e+00, v18;
	v19 =	vsub.f32 v12, v29  }
0xd4: {  	v26 =	vsub.f32 v11, v29;
	v22 =	vsub.f32 v7, v29;
	(erf) = vpow2.f32 v14  }
0xd5: {  	vm5 =	vgt.f32 v16, v23;
	v14 =	vmul.f32 $1.442695020e+00, v20;
	v19 =	vmul.f32 $1.442695020e+00, v19  }
0xd6: {  	v16 =	vsel vm5, v16, v23;
	v20 =	vmul.f32 $1.442695020e+00, v26;
	v21 =	vpop (erf);
	(erf) = vpow2.f32 v17  }
0xd7: {  	v22 =	vmul.f32 $1.442695020e+00, v22;
	v26 =	vsel vm3, v30, v16;
	v17 =	vsel vm4, v24, v25;
	v23 =	vpop (erf)  }
0xd8: {  	vm6 =	vgt.f32 v12, v26;
	v25 =	vadd.f32 v23, v21;
	(erf) = vpow2.f32 v8  }
0xd9: {  	v12 =	vsel vm6, v12, v26;
	v30 =	vsel vm5, $0xC, v17;
	v8 =	vsel vm4, $0xB, v24;
	v16 =	vpop (erf)  }
0xda: {  	v12 =	vsel vm2, v27, v12;
	v24 =	vadd.f32 v25, v16;
	(erf) = vpow2.f32 v9  }
0xdb: {  	vm4 =	vgt.f32 v11, v12;
	v9 =	vsel vm3, v8, v30;
	v17 =	vpop (erf)  }
0xdc: {  	v25 =	vsel vm4, v11, v12;
	v12 =	vadd.f32 v24, v17;
	(erf) = vpow2.f32 v10  }
0xdd: {  	v8 =	vsel vm3, $0xC, v8;
	v9 =	vsel vm6, $0xD, v9;
	v10 =	vsel vm1, v28, v25;
	v11 =	vpop (erf)  }
0xde: {  	vm3 =	vgt.f32 v7, v10;
	v12 =	vadd.f32 v12, v11;
	(erf) = vpow2.f32 v15  }
0xdf: {  	v9 =	vsel vm2, v8, v9;
	v8 =	vsel vm2, $0xD, v8;
	v7 =	vsel vm3, v7, v10;
	v15 =	vpop (erf)  }
0xe0: {  	v7 =	vsel vm0, v31, v7;
	v10 =	vadd.f32 v12, v15;
	(erf) = vpow2.f32 v13  }
0xe1: {  	v12 =	vsel vm4, $0xE, v9;
	v9 =	vsel vm1, $0xE, v8;
	v7 =	vsub.f32 v7, v29;
	v13 =	vpop (erf)  }
0xe2: {  	v24 =	vsel vm1, v8, v12;
	v12 =	vadd.f32 v10, v13;
	(erf) = vpow2.f32 v18  }
0xe3: {  	v10 =	vsel vm3, $0xF, v24;
	v7 =	vmul.f32 $1.442695020e+00, v7;
	v8 =	vpop (erf)  }
0xe4: {  	v12 =	vadd.f32 v12, v8;
	(erf) = vpow2.f32 v14  }
0xe5: {  	v14 =	vpop (erf);
	(erf) = vpow2.f32 v7  }
0xe6: {  	v7 =	vadd.f32 v12, v14;
	(erf) = vpow2.f32 v19  }
0xe7: {  	v18 =	vpop (erf)  }
0xe8: {  	v7 =	vadd.f32 v7, v18;
	(erf) = vpow2.f32 v20  }
0xe9: {  	v19 =	vpop (erf)  }
0xea: {  	v7 =	vadd.f32 v7, v19;
	(erf) = vpow2.f32 v22  }
0xeb: {  	v20 =	vpop (erf)  }
0xec: {  	v7 =	vadd.f32 v7, v20  }
0xed: {  	v22 =	vpop (erf)  }
0xee: {  	v7 =	vadd.f32 v7, v22;
	v12 =	vpop (erf)  }
0xef: {  	v24 =	vadd.f32 $1.000000000e+00, v12;
	v12 =	vpop (erf)  }
0xf0: {  	v7 =	vadd.f32 v7, v12  }
0xf1: {  	v25 =	vpop (erf)  }
0xf2: {  	v7 =	vadd.f32 v7, v25  }
0xf3: {  	v26 =	vpop (erf)  }
0xf4: {  	v7 =	vadd.f32 v7, v26;
	_ =	sdelay $0x1  }
0xf5: {  	(erf) = vrcp.f32 v7;
	_ =	sdelay $0x8  }
0xf6: {  	v7 =	vpop (erf)  }
0xf7: {  	v21 =	vmul.f32 v7, v21;
	v23 =	vmul.f32 v7, v23  }
0xf8: {  	v16 =	vmul.f32 v7, v16;
	v12 =	vmul.f32 v7, v12  }
0xf9: {  	[tilespmem:s9+$0x0] =	vst.add.f32.msk $0xffff, v21  }
0xfa: {  	v17 =	vmul.f32 v7, v17;
	[tilespmem:s10+$0x0] =	vst.add.f32.msk $0xffff, v23  }
0xfb: {  	v11 =	vmul.f32 v7, v11;
	[tilespmem:s11+$0x0] =	vst.add.f32.msk $0xffff, v16  }
0xfc: {  	v15 =	vmul.f32 v7, v15;
	[tilespmem:s12+$0x0] =	vst.add.f32.msk $0xffff, v17  }
0xfd: {  	[tilespmem:s13+$0x0] =	vst.add.f32.msk $0xffff, v11;
	v11 =	vmul.f32 v7, v13;
	(erf) = vrcp.f32 v24  }
0xfe: {  	v8 =	vmul.f32 v7, v8;
	v13 =	vmul.f32 v7, v26;
	[tilespmem:s14+$0x0] =	vst.add.f32.msk $0xffff, v15  }
.Ltmp0:
0xff: {  	v15 =	vmov s0;
	[tilespmem:s15+$0x0] =	vst.add.f32.msk $0xffff, v11;
	v11 =	vmul.f32 v7, v14;
	v14 =	vmul.f32 v7, v25;
	(pc) =	sbr.rel @p0 .LBB2_2-.Ltmp0, $4  }
0x100: {  	v16 =	vmul.f32 v7, v18;
	v17 =	vmul.f32 v7, v22;
	v15 =	vshll.u32 v15, $0x7;
	[tilespmem:s16+$0x0] =	vst.add.f32.msk $0xffff, v8  }
0x101: {  	v20 =	vmul.f32 v7, v20;
	v21 =	vmul.f32 v7, v19;
	v8 =	vor.u32 v2, v15;
	[tilespmem:s17+$0x0] =	vst.add.f32.msk $0xffff, v11  }
0x102: {  	v7 =	vor.u32 $0x1, v8;
	v15 =	vor.u32 $0x2, v8;
	v19 =	vor.u32 $0x3, v8;
	[tilespmem:s18+$0x0] =	vst.add.f32.msk $0xffff, v16  }
0x103: {  	v11 =	vor.u32 $0x5, v8;
	v18 =	vor.u32 $0x6, v8;
	v16 =	vor.u32 $0x4, v8;
	[tilespmem:s19+$0x0] =	vst.add.f32.msk $0xffff, v21  }
0x104: {  	[tilespmem:s20+$0x0] =	vst.add.f32.msk $0xffff, v20  }
0x105: {  	[tilespmem:s21+$0x0] =	vst.add.f32.msk $0xffff, v17  }
0x106: {  	[tilespmem:s22+$0x0] =	vst.add.f32.msk $0xffff, v12  }
0x107: {  	v57 =	vpop (erf);
	[tilespmem:s23+$0x0] =	vst.add.f32.msk $0xffff, v14  }
0x108: {  	v58 =	vsel vm0, $0xF, v9;
	v59 =	vsub.f32 $1.000000000e+00, v57;
	[tilespmem:s24+$0x0] =	vst.add.f32.msk $0xffff, v13  }
0x109: {  	v60 =	vsel vm0, v9, v10;
	[tilespmem:v5+s25+$0x0] =	vst.idx.msk $0xffff, v57  }
0x10a: {  	[tilespmem:v6+s25+$0x0] =	vst.idx.msk $0xffff, v59  }
0x10b: {  	[tilespmem:v5+s26+$0x0] =	vst.idx.msk $0xffff, v58  }
0x10c: {  	[tilespmem:v6+s26+$0x0] =	vst.idx.msk $0xffff, v60  }
0x10d: {  	[tilespmem:v58+s28+$0x0] =	vst.idx.add.f32.msk $0xffff, v4  }
0x10e: {  	[tilespmem:v60+s28+$0x0] =	vst.idx.add.f32.msk $0xffff, v4  }
0x10f: {  	v5 =	vld.idx.msk [tilespmem:v7+s2+$0x0], $0xffff  }
0x110: {  	v6 =	vld.idx.msk [tilespmem:v8+s2+$0x0], $0xffff;
	_ =	sdelay $0x2  }
0x111: {  	v9 =	vld.idx.msk [tilespmem:v15+s2+$0x0], $0xffff;
	_ =	sdelay $0x1  }
0x112: {  	v61 =	vld.idx.msk [tilespmem:v19+s2+$0x0], $0xffff;
	vm6 =	vgt.f32 v5, v6  }
0x113: {  	vm2 =	vmneg vm6  }
0x114: {  	v62 =	vimm.s32 $0x0;
	v35 =	vimm.s32 $0x0;
	v63 =	vld.idx.msk [tilespmem:v16+s2+$0x0], $0xffff;
	v34 =	vsel vm2, v6, v5  }
0x115: {  	v36 =	vor.u32 $0x7, v8;
	v37 =	vor.u32 $0x8, v8;
	vm4 =	vgt.f32 v9, v34  }
0x116: {  	v39 =	vor.u32 $0x9, v8;
	v40 =	vimm.s32 $0x0;
	v11 =	vld.idx.msk [tilespmem:v11+s2+$0x0], $0xffff;
	v15 =	vsel vm4, v9, v34  }
0x117: {  	v22 =	vor.u32 $0xA, v8;
	v12 =	vsel vm6, $0xFFFFFFFF, v62;
	vm6 =	vgt.f32 v61, v15  }
0x118: {  	v17 =	vld.idx.msk [tilespmem:v18+s2+$0x0], $0xffff;
	vm7 =	vlt.f32 v5, $-Inf;
	vm1 =	vgt.f32 v5, $-Inf;
	v38 =	vsel vm6, v61, v15  }
0x119: {  	vm0 =	vmor vm1, vm7;
	v14 =	vsel vm2, $0xFFFFFFFF, v35;
	vm10 =	vgt.f32 v63, v38  }
0x11a: {  	v20 =	vsel vm0, $0xFFFFFFFF, v40;
	v41 =	vnsel vm0, $0xFF800000, v5;
	[tilespmem:$0x1FDF0] =	vst v14;
	v14 =	vld.idx.msk [tilespmem:v36+s2+$0x0], $0xffff;
	v21 =	vsel vm10, v63, v38  }
0x11b: {  	v23 =	vimm.s32 $0x0;
	[tilespmem:$0x1FDE0] =	vst v20;
	v20 =	vsel vm2, v41, v6;
	vm11 =	vgt.f32 v11, v21  }
0x11c: {  	v24 =	vor.u32 $0xB, v8;
	v16 =	vld.idx.msk [tilespmem:v37+s2+$0x0], $0xffff;
	vm8 =	vgt.f32 v9, v20;
	v42 =	vsel vm11, v11, v21  }
0x11d: {  	v25 =	vor.u32 $0xC, v8;
	v20 =	vsel vm8, v9, v20;
	vm13 =	vgt.f32 v17, v42  }
0x11e: {  	v26 =	vimm.s32 $0x0;
	v19 =	vld.idx.msk [tilespmem:v39+s2+$0x0], $0xffff;
	v13 =	vsel vm4, v34, v20;
	v43 =	vsel vm13, v17, v42  }
0x11f: {  	v27 =	vor.u32 $0xD, v8;
	vm9 =	vgt.f32 v61, v13;
	vm14 =	vgt.f32 v14, v43  }
0x120: {  	v46 =	vimm.s32 $0x0;
	v22 =	vld.idx.msk [tilespmem:v22+s2+$0x0], $0xffff;
	v13 =	vsel vm9, v61, v13;
	v44 =	vsel vm14, v14, v43  }
0x121: {  	v28 =	vor.u32 $0xE, v8;
	v13 =	vsel vm6, v15, v13;
	vm15 =	vgt.f32 v16, v44  }
0x122: {  	v29 =	vor.u32 $0xF, v8;
	v45 =	vld.idx.msk [tilespmem:v24+s2+$0x0], $0xffff;
	vm5 =	vgt.f32 v63, v13;
	v47 =	vsel vm15, v16, v44  }
0x123: {  	v30 =	vimm.s32 $0x0;
	v13 =	vsel vm5, v63, v13;
	vm12 =	vgt.f32 v19, v47  }
0x124: {  	v31 =	vimm.s32 $0x0;
	v25 =	vld.idx.msk [tilespmem:v25+s2+$0x0], $0xffff;
	v13 =	vsel vm10, v38, v13;
	v48 =	vsel vm12, v19, v47  }
0x125: {  	v26 =	vsel vm9, $0xFFFFFFFF, v26;
	vm7 =	vgt.f32 v11, v13;
	vm9 =	vgt.f32 v22, v48  }
0x126: {  	v53 =	vimm.s32 $0x0;
	v27 =	vld.idx.msk [tilespmem:v27+s2+$0x0], $0xffff;
	v13 =	vsel vm7, v11, v13;
	v49 =	vsel vm9, v22, v48  }
0x127: {  	v23 =	vsel vm8, $0xFFFFFFFF, v23;
	v13 =	vsel vm11, v21, v13;
	vm8 =	vgt.f32 v45, v49  }
0x128: {  	v50 =	vld.idx.msk [tilespmem:v28+s2+$0x0], $0xffff;
	v24 =	vsel vm5, $0xFFFFFFFF, v46;
	vm5 =	vgt.f32 v17, v13;
	v51 =	vsel vm8, v45, v49  }
0x129: {  	v31 =	vsel vm5, $0xFFFFFFFF, v31;
	v13 =	vsel vm5, v17, v13;
	vm5 =	vgt.f32 v25, v51  }
0x12a: {  	v32 =	vimm.s32 $0x0;
	v57 =	vimm.s32 $0x0;
	v29 =	vld.idx.msk [tilespmem:v29+s2+$0x0], $0xffff;
	v52 =	vsel vm5, v25, v51  }
0x12b: {  	v59 =	vimm.s32 $0x0;
	v13 =	vsel vm13, v42, v13;
	vm3 =	vgt.f32 v27, v52  }
0x12c: {  	v30 =	vsel vm7, $0xFFFFFFFF, v30;
	vm7 =	vgt.f32 v14, v13;
	v54 =	vsel vm3, v27, v52  }
0x12d: {  	v58 =	vimm.s32 $0x0;
	v13 =	vsel vm7, v14, v13;
	vm1 =	vgt.f32 v50, v54  }
0x12e: {  	v62 =	vimm.s32 $0x0;
	v13 =	vsel vm14, v43, v13;
	v55 =	vsel vm1, v50, v54  }
0x12f: {  	[tilespmem:$0x1FE50] =	vst v31;
	v31 =	vsel vm7, $0xFFFFFFFF, v53;
	vm7 =	vgt.f32 v16, v13;
	vm0 =	vgt.f32 v29, v55  }
0x130: {  	v35 =	vimm.s32 $0x0;
	v13 =	vsel vm7, v16, v13;
	v56 =	vsel vm0, v29, v55  }
0x131: {  	v38 =	vimm.s32 $0x0;
	v13 =	vsel vm15, v44, v13;
	v6 =	vsub.f32 v6, v56  }
0x132: {  	v32 =	vsel vm7, $0xFFFFFFFF, v32;
	vm7 =	vgt.f32 v19, v13;
	v5 =	vsub.f32 v5, v56  }
0x133: {  	[tilespmem:$0x1FE70] =	vst v32;
	v32 =	vsel vm7, $0xFFFFFFFF, v57;
	v13 =	vsel vm7, v19, v13;
	v6 =	vmul.f32 $1.442695020e+00, v6  }
0x134: {  	v13 =	vsel vm12, v47, v13;
	v9 =	vsub.f32 v9, v56;
	v5 =	vmul.f32 $1.442695020e+00, v5  }
0x135: {  	vm7 =	vgt.f32 v22, v13;
	v10 =	vsub.f32 v61, v56;
	(erf) = vpow2.f32 v6  }
0x136: {  	[tilespmem:$0x1FE30] =	vst v24;
	v24 =	vsel vm7, $0xFFFFFFFF, v58;
	v9 =	vmul.f32 $1.442695020e+00, v9;
	(erf) = vpow2.f32 v5  }
0x137: {  	v60 =	vsub.f32 v11, v56;
	v10 =	vmul.f32 $1.442695020e+00, v10;
	v6 =	vsel vm7, v22, v13  }
0x138: {  	[tilespmem:$0x1FE40] =	vst v30;
	v5 =	vsel vm9, v48, v6;
	v6 =	vsub.f32 v63, v56;
	(erf) = vpow2.f32 v9  }
0x139: {  	v30 =	vimm.s32 $0x0;
	[tilespmem:$0x1FE90] =	vst v24;
	v61 =	vsub.f32 v17, v56;
	v24 =	vsub.f32 v16, v56  }
0x13a: {  	vm7 =	vgt.f32 v45, v5;
	v6 =	vmul.f32 $1.442695020e+00, v6;
	(erf) = vpow2.f32 v10  }
0x13b: {  	[tilespmem:$0x1FE80] =	vst v32;
	v32 =	vsub.f32 v19, v56;
	v9 =	vsel vm7, $0xFFFFFFFF, v59;
	v5 =	vsel vm7, v45, v5  }
0x13c: {  	[tilespmem:$0x1FEA0] =	vst v9;
	v5 =	vsel vm8, v49, v5;
	v9 =	vmul.f32 $1.442695020e+00, v60;
	(erf) = vpow2.f32 v6  }
0x13d: {  	v36 =	vsub.f32 v45, v56;
	v6 =	vsub.f32 v14, v56;
	vm7 =	vgt.f32 v25, v5  }
0x13e: {  	v10 =	vmul.f32 $1.442695020e+00, v61;
	v5 =	vsel vm7, v25, v5;
	(erf) = vpow2.f32 v9;
	v63 =	vpop (erf)  }
0x13f: {  	[tilespmem:$0x1FE00] =	vst v12;
	v11 =	vsel vm7, $0xFFFFFFFF, v62;
	v6 =	vmul.f32 $1.442695020e+00, v6;
	v5 =	vsel vm5, v51, v5;
	v12 =	vpop (erf)  }
0x140: {  	vm7 =	vgt.f32 v27, v5;
	(erf) = vpow2.f32 v10;
	v28 =	vadd.f32 v12, v63  }
0x141: {  	v9 =	vmul.f32 $1.442695020e+00, v24;
	v5 =	vsel vm7, v27, v5;
	v10 =	vsel vm7, $0xFFFFFFFF, v30;
	v33 =	vpop (erf)  }
0x142: {  	v5 =	vsel vm3, v52, v5;
	(erf) = vpow2.f32 v6;
	v13 =	vadd.f32 v28, v33  }
0x143: {  	[tilespmem:$0x1FEC0] =	vst v10;
	v6 =	vsub.f32 v22, v56;
	v10 =	vmul.f32 $1.442695020e+00, v32;
	vm7 =	vgt.f32 v50, v5;
	v34 =	vpop (erf)  }
0x144: {  	v5 =	vsel vm7, v50, v5;
	(erf) = vpow2.f32 v9;
	v13 =	vadd.f32 v13, v34  }
0x145: {  	v17 =	vsel vm7, $0xFFFFFFFF, v35;
	v6 =	vmul.f32 $1.442695020e+00, v6;
	v5 =	vsel vm1, v54, v5;
	v37 =	vpop (erf)  }
0x146: {  	(erf) = vpow2.f32 v10;
	vm7 =	vgt.f32 v29, v5;
	v13 =	vadd.f32 v13, v37  }
0x147: {  	v39 =	vsub.f32 v25, v56;
	v9 =	vmul.f32 $1.442695020e+00, v36;
	v5 =	vsel vm7, v29, v5;
	v40 =	vpop (erf)  }
0x148: {  	(erf) = vpow2.f32 v6;
	v5 =	vsel vm0, v55, v5;
	v13 =	vadd.f32 v13, v40  }
0x149: {  	v10 =	vsel vm7, $0xFFFFFFFF, v38;
	v6 =	vsub.f32 v27, v56;
	v5 =	vsub.f32 v5, v56;
	v41 =	vpop (erf)  }
0x14a: {  	[tilespmem:$0x1FEE0] =	vst v10;
	v10 =	vmul.f32 $1.442695020e+00, v39;
	(erf) = vpow2.f32 v9;
	v13 =	vadd.f32 v13, v41  }
0x14b: {  	v42 =	vsub.f32 v50, v56;
	v6 =	vmul.f32 $1.442695020e+00, v6;
	v5 =	vmul.f32 $1.442695020e+00, v5;
	v43 =	vpop (erf)  }
0x14c: {  	(erf) = vpow2.f32 v10;
	v13 =	vadd.f32 v13, v43  }
0x14d: {  	v45 =	vpop (erf);
	(erf) = vpow2.f32 v5;
	v5 =	vmul.f32 $1.442695020e+00, v42  }
0x14e: {  	v44 =	vsub.f32 v29, v56;
	(erf) = vpow2.f32 v6;
	v46 =	vadd.f32 v13, v45  }
0x14f: {  	v6 =	vpop (erf)  }
0x150: {  	v10 =	vmul.f32 $1.442695020e+00, v44;
	(erf) = vpow2.f32 v5;
	v9 =	vadd.f32 v46, v6  }
0x151: {  	v5 =	vpop (erf)  }
0x152: {  	(erf) = vpow2.f32 v10;
	v9 =	vadd.f32 v9, v5  }
0x153: {  	v47 =	vpop (erf)  }
0x154: {  	v9 =	vadd.f32 v9, v47  }
0x155: {  	v48 =	vpop (erf)  }
0x156: {  	v49 =	vpop (erf);
	v9 =	vadd.f32 v9, v48  }
0x157: {  	v50 =	vpop (erf)  }
0x158: {  	v9 =	vadd.f32 v9, v50  }
0x159: {  	v53 =	vld [tilespmem:$0x1FDE0];
	v51 =	vpop (erf)  }
0x15a: {  	[tilespmem:$0x1FE10] =	vst v23;
	v54 =	vld [tilespmem:$0x1FDF0];
	v9 =	vadd.f32 v9, v51  }
0x15b: {  	v57 =	vld [tilespmem:$0x1FE10];
	v52 =	vpop (erf)  }
0x15c: {  	v56 =	vld [tilespmem:$0x1FE00];
	v9 =	vadd.f32 v9, v52  }
0x15d: {  	[tilespmem:$0x1FE20] =	vst v26  }
0x15e: {  	v58 =	vld [tilespmem:$0x1FE20];
	(erf) = vrcp.f32 v9  }
0x15f: {  	vm7 =	vnez.u8 v53;
	vm2 =	vnez.u8 v54  }
0x160: {  	v59 =	vld [tilespmem:$0x1FE30];
	vm7 =	vmand vm2, vm7  }
0x161: {  	v55 =	vsel vm7, $0x1, v3;
	vm7 =	vnez.u8 v57;
	vm2 =	vnez.u8 v56  }
0x162: {  	v60 =	vld [tilespmem:$0x1FE40];
	v25 =	vsel vm7, $0x2, v55;
	v9 =	vsel vm2, $0x1, v3  }
0x163: {  	v25 =	vsel vm4, v9, v25;
	v9 =	vsel vm4, $0x2, v9;
	vm4 =	vnez.u8 v58  }
0x164: {  	v61 =	vld [tilespmem:$0x1FE50];
	v25 =	vsel vm4, $0x3, v25  }
0x165: {  	vm7 =	vnez.u8 v59;
	v25 =	vsel vm6, v9, v25  }
0x166: {  	[tilespmem:$0x1FE60] =	vst v31;
	v31 =	vld [tilespmem:$0x1FE70];
	v9 =	vsel vm6, $0x3, v9;
	v25 =	vsel vm7, $0x4, v25  }
0x167: {  	v25 =	vsel vm10, v9, v25;
	v9 =	vsel vm10, $0x4, v9;
	vm10 =	vnez.u8 v60;
	v62 =	vpop (erf)  }
0x168: {  	[tilespmem:$0x1FEB0] =	vst v11;
	v25 =	vsel vm10, $0x5, v25;
	v11 =	vmul.f32 v62, v63;
	v63 =	vld [tilespmem:$0x1FE60]  }
0x169: {  	v38 =	vld [tilespmem:$0x1FE90];
	v25 =	vsel vm11, v9, v25;
	v9 =	vsel vm11, $0x5, v9;
	vm11 =	vnez.u8 v61  }
0x16a: {  	v44 =	vld [tilespmem:$0x1FEC0];
	v25 =	vsel vm11, $0x6, v25  }
0x16b: {  	v42 =	vld [tilespmem:$0x1FEB0];
	vm6 =	vnez.u8 v31;
	v25 =	vsel vm13, v9, v25;
	v12 =	vmul.f32 v62, v12  }
0x16c: {  	v9 =	vsel vm13, $0x6, v9;
	v14 =	vmul.f32 v62, v33;
	v32 =	vmul.f32 v62, v34;
	v34 =	vld [tilespmem:$0x1FE80]  }
0x16d: {  	[tilespmem:$0x1FED0] =	vst v17;
	v33 =	vmul.f32 v62, v37;
	v37 =	vmul.f32 v62, v41;
	v41 =	vld [tilespmem:$0x1FEA0];
	vm4 =	vnez.u8 v63  }
0x16e: {  	v36 =	vmul.f32 v62, v40;
	v10 =	vmul.f32 v62, v47;
	v47 =	vld [tilespmem:$0x1FED0];
	v25 =	vsel vm4, $0x7, v25  }
0x16f: {  	v40 =	vmul.f32 v62, v45;
	v45 =	vmul.f32 v62, v50;
	v50 =	vld [tilespmem:$0x1FEE0];
	v30 =	vsel vm14, v9, v25  }
0x170: {  	[tilespmem:s9+$0x0] =	vst.add.f32.msk $0xffff, v11;
	v9 =	vsel vm14, $0x7, v9;
	v11 =	vsel vm6, $0x8, v30  }
0x171: {  	[tilespmem:s10+$0x0] =	vst.add.f32.msk $0xffff, v12;
	vm7 =	vnez.u8 v34;
	v11 =	vsel vm15, v9, v11  }
0x172: {  	[tilespmem:s11+$0x0] =	vst.add.f32.msk $0xffff, v14;
	v9 =	vsel vm15, $0x8, v9;
	v11 =	vsel vm7, $0x9, v11  }
0x173: {  	vm10 =	vnez.u8 v38;
	[tilespmem:s12+$0x0] =	vst.add.f32.msk $0xffff, v32;
	v11 =	vsel vm12, v9, v11  }
0x174: {  	v35 =	vadd.f32 $1.000000000e+00, v49;
	[tilespmem:s13+$0x0] =	vst.add.f32.msk $0xffff, v33;
	v9 =	vsel vm12, $0x9, v9;
	v11 =	vsel vm10, $0xA, v11  }
0x175: {  	v39 =	vmul.f32 v62, v43;
	vm11 =	vnez.u8 v41;
	[tilespmem:s14+$0x0] =	vst.add.f32.msk $0xffff, v36;
	v11 =	vsel vm9, v9, v11  }
0x176: {  	(erf) = vrcp.f32 v35;
	[tilespmem:s15+$0x0] =	vst.add.f32.msk $0xffff, v37;
	v9 =	vsel vm9, $0xA, v9;
	v11 =	vsel vm11, $0xB, v11  }
0x177: {  	v6 =	vmul.f32 v62, v6;
	[tilespmem:s16+$0x0] =	vst.add.f32.msk $0xffff, v39;
	vm12 =	vnez.u8 v42;
	v11 =	vsel vm8, v9, v11  }
0x178: {  	v5 =	vmul.f32 v62, v5;
	[tilespmem:s17+$0x0] =	vst.add.f32.msk $0xffff, v40;
	v9 =	vsel vm8, $0xB, v9;
	v11 =	vsel vm12, $0xC, v11  }
0x179: {  	vm13 =	vnez.u8 v44;
	[tilespmem:s18+$0x0] =	vst.add.f32.msk $0xffff, v6;
	v6 =	vsel vm5, v9, v11  }
0x17a: {  	[tilespmem:s19+$0x0] =	vst.add.f32.msk $0xffff, v5;
	v5 =	vsel vm5, $0xC, v9;
	v6 =	vsel vm13, $0xD, v6  }
0x17b: {  	v43 =	vmul.f32 v62, v48;
	vm14 =	vnez.u8 v47;
	v6 =	vsel vm3, v5, v6  }
0x17c: {  	[tilespmem:s20+$0x0] =	vst.add.f32.msk $0xffff, v10;
	v6 =	vsel vm14, $0xE, v6  }
0x17d: {  	v46 =	vmul.f32 v62, v51;
	[tilespmem:s21+$0x0] =	vst.add.f32.msk $0xffff, v43  }
0x17e: {  	v48 =	vmul.f32 v62, v52;
	[tilespmem:s22+$0x0] =	vst.add.f32.msk $0xffff, v45;
	v5 =	vsel vm3, $0xD, v5  }
0x17f: {  	vm15 =	vnez.u8 v50;
	[tilespmem:s23+$0x0] =	vst.add.f32.msk $0xffff, v46;
	v49 =	vsel vm1, $0xE, v5;
	v5 =	vsel vm1, v5, v6;
	v6 =	vpop (erf)  }
0x180: {  	[tilespmem:s24+$0x0] =	vst.add.f32.msk $0xffff, v48;
	v51 =	vsel vm0, $0xF, v49;
	v5 =	vsel vm15, $0xF, v5;
	v52 =	vsub.f32 $1.000000000e+00, v6  }
0x181: {  	v5 =	vsel vm0, v49, v5;
	[tilespmem:v8+s25+$0x0] =	vst.idx.msk $0xffff, v6;
	v6 =	vmul.u32 $0x10, v1  }
0x182: {  	[tilespmem:v7+s25+$0x0] =	vst.idx.msk $0xffff, v52  }
0x183: {  	[tilespmem:v8+s26+$0x0] =	vst.idx.msk $0xffff, v51  }
0x184: {  	[tilespmem:v7+s26+$0x0] =	vst.idx.msk $0xffff, v5;
	v7 =	vor.u32 $0x1, v6  }
0x185: {  	[tilespmem:v51+s28+$0x0] =	vst.idx.add.f32.msk $0xffff, v4  }
0x186: {  	[tilespmem:v5+s28+$0x0] =	vst.idx.add.f32.msk $0xffff, v4;
	v5 =	vor.u32 $0x2, v6  }
0x187: {  	v8 =	vld.idx.msk [tilespmem:v6+s9+$0x0], $0xffff  }
0x188: {  	v53 =	vor.u32 $0x3, v6  }
0x189: {  	v7 =	vld.idx.msk [tilespmem:v7+s9+$0x0], $0xffff  }
0x18a: {  	v54 =	vor.u32 $0x4, v6  }
0x18b: {  	v5 =	vld.idx.msk [tilespmem:v5+s9+$0x0], $0xffff  }
0x18c: {  	v55 =	vor.u32 $0x5, v6;
	v8 =	vadd.f32 $0.0e+00, v8  }
0x18d: {  	v9 =	vld.idx.msk [tilespmem:v53+s9+$0x0], $0xffff  }
0x18e: {  	v56 =	vor.u32 $0x6, v6;
	v7 =	vadd.f32 v7, v8  }
0x18f: {  	v10 =	vld.idx.msk [tilespmem:v54+s9+$0x0], $0xffff  }
0x190: {  	v5 =	vadd.f32 v5, v7;
	v7 =	vor.u32 $0x7, v6  }
0x191: {  	v11 =	vld.idx.msk [tilespmem:v55+s9+$0x0], $0xffff  }
0x192: {  	v57 =	vor.u32 $0x8, v6;
	v5 =	vadd.f32 v9, v5  }
0x193: {  	v8 =	vld.idx.msk [tilespmem:v56+s9+$0x0], $0xffff  }
0x194: {  	v58 =	vor.u32 $0x9, v6;
	v5 =	vadd.f32 v10, v5  }
0x195: {  	v7 =	vld.idx.msk [tilespmem:v7+s9+$0x0], $0xffff  }
0x196: {  	v59 =	vor.u32 $0xA, v6;
	v5 =	vadd.f32 v11, v5  }
0x197: {  	v9 =	vld.idx.msk [tilespmem:v57+s9+$0x0], $0xffff  }
0x198: {  	v60 =	vor.u32 $0xB, v6;
	v5 =	vadd.f32 v8, v5  }
0x199: {  	v10 =	vld.idx.msk [tilespmem:v58+s9+$0x0], $0xffff  }
0x19a: {  	v5 =	vadd.f32 v7, v5;
	v7 =	vor.u32 $0xC, v6  }
0x19b: {  	v11 =	vld.idx.msk [tilespmem:v59+s9+$0x0], $0xffff  }
0x19c: {  	v61 =	vor.u32 $0xD, v6;
	v5 =	vadd.f32 v9, v5  }
0x19d: {  	v8 =	vld.idx.msk [tilespmem:v60+s9+$0x0], $0xffff  }
0x19e: {  	v62 =	vor.u32 $0xE, v6;
	v5 =	vadd.f32 v10, v5  }
0x19f: {  	v7 =	vld.idx.msk [tilespmem:v7+s9+$0x0], $0xffff  }
0x1a0: {  	v6 =	vor.u32 $0xF, v6;
	v5 =	vadd.f32 v11, v5  }
0x1a1: {  	v9 =	vld.idx.msk [tilespmem:v61+s9+$0x0], $0xffff  }
0x1a2: {  	v5 =	vadd.f32 v8, v5  }
0x1a3: {  	v63 =	vld.idx.msk [tilespmem:v62+s9+$0x0], $0xffff  }
0x1a4: {  	v5 =	vadd.f32 v7, v5  }
0x1a5: {  	v6 =	vld.idx.msk [tilespmem:v6+s9+$0x0], $0xffff  }
0x1a6: {  	v7 =	vld [tilespmem:$0x18000];
	v5 =	vadd.f32 v9, v5;
	_ =	sdelay $0x1  }
0x1a7: {  	v5 =	vadd.f32 v63, v5;
	_ =	sdelay $0x1  }
0x1a8: {  	v5 =	vadd.f32 v6, v5  }
0x1a9: {  	[tilespmem:$0x18180] =	vst v7  }
0x1aa: {  	[tilespmem:$0x18190] =	vst v5  }
0x1ab: {  	[hbm4b:s4+s2] =	stream.linear.scatter [tilespmem:s25], [sflag:$0x1], $0x8000, $0x38;
	[tilespmem:$0x18200] =	vst v63  }
0x1ac: {  	_ =	swait.ge [sflag:s8], $0x8000  }
0x1ad: {  	[sflag:s8] =	ssyncset.done $0x0  }
0x1ae: {  	[sflag:s8] =	ssyncadd.s32 $0xFFFF8000  }
0x1af: {  	[hbm4b:s5+s2] =	stream.linear.scatter [tilespmem:s26], [sflag:$0x1], $0x8000, $0x38;
	[tilespmem:$0x18200] =	vst v63  }
0x1b0: {  	s30 =	sadd.s32 $0x1, s30;
	_ =	swait.ge [sflag:s8], $0x8000  }
0x1b1: {  	p0 =	sne.s32 s30, s7;
	[sflag:s8] =	ssyncset.done $0x0  }
.Ltmp1:
0x1b2: {  	[sflag:s8] =	ssyncadd.s32 $0xFFFF8000;
	(pc) =	sbr.rel @p0 .LBB2_1-.Ltmp1, $4  }
0x1b3: {  	[hbm4b:s6+s2] =	stream.linear.scatter [tilespmem:s29], [sflag:$0x1], $0x20, $0x38;
	[tilespmem:$0x18200] =	vst v63  }
0x1b4: {  	_ =	swait.ge [sflag:s8], $0x20  }
0x1b5: {  	[sflag:s8] =	ssyncset.done $0x0  }
0x1b6: {  	[sflag:s8] =	ssyncadd.s32 $0xFFFFFFE0  }
0x1b7: {  	_ =	sfence.sel $0x180000  }
0x1b8: {  	[bflag:$0x0] =	sbarrier.arrive $0xFFFF  }
0x1b9: {  	_ =	strace $0x90000047  }
0x1ba: {  	[bflag:$0x2] =	sbarrier.arrive $0xFFFF  }
0x1bb: {  	p0 =	sne.s32 s1, $0x0;
	s0 =	rddreg [dreg:$0x1]  }
0x1bc: {  	s0 =	sadd.s32 @!p0 $0x100000, s0  }
0x1bd: {  	[sflag:s0] =	ssyncadd.tile.s32 @!p0 $0x1;
	_ =	shalt  }
.Lfunc_end2:
_tile_overlayer_lowered:
.L_overlay_start_2:
0x1be: {  	(tag) =	ssettag $0x2  }
0x1bf: {  	s0 =	rddreg [dreg:$0x0];
	s2 =	stileid.u32  }
0x1c0: {  	s1 =	rddreg [dreg:$0x1];
	p0 =	sne.s32 s2, $0x0  }
0x1c1: {  	s3 =	rddreg [dreg:$0x2];
	[bflag:$0x3] =	sbarrier.arrive $0xFFFF;
	s2 =	simm.s32 @!p0 $0x1C01  }
0x1c2: {  	[timem:s3], [sflag:s2] =	dma.local @!p0 [hbm:s0], s1  }
0x1c3: {  	s0 =	simm.s32 @!p0 $0x1  }
0x1c4: {  	_ =	swait.ge @!p0 [sflag:s0], s1  }
0x1c5: {  	s1 =	ssub.s32 @!p0 $0x0, s1;
	[sflag:s0] =	ssyncset.done @!p0 $0x0  }
0x1c6: {  	[sflag:s0] =	ssyncadd.s32 @!p0 s1  }
0x1c7: {  	[bflag:$0x3] =	sbarrier.arrive $0xFFFF  }
0x1c8: {  	_ =	shalt  }

</sc_bundles>
